<compile_context>
chip_gen: v7x
topology: tpu7x:2x2x1
jax: 0.10.2.dev20260603
libtpu: 0.0.44.dev20260713+nightly
codegen_flags: <defaults>
</compile_context>

<pallas_src>
import functools

import jax
import jax.numpy as jnp
from jax import lax
from jax.experimental import pallas as pl
from jax.experimental.pallas import tpu as pltpu
from jax.experimental.pallas import tpu_sc as plsc

N_NODES = 10000
N_EDGES = 160000
IN_F = 512
OUT_F = 256
HALF_F = 128
NC, NS = 2, 16
CHUNK = 125
EPT_PAD = 10000
E_PAD = EPT_PAD * NS
NCHUNK = EPT_PAD // CHUNK
NHALF = 2
HCH = NCHUNK // NHALF
ROWS_PT = 632
N_PAD = ROWS_PT * NS
M_BLK = 1000


def _matmul_body(h_ref, w_ref, n_ref, out_ref):
    prod = (
        jnp.dot(h_ref[...], w_ref[...], preferred_element_type=jnp.float32)
        * n_ref[...]
    )
    out_ref[0] = prod[:, :HALF_F]
    out_ref[1] = prod[:, HALF_F:]


def _projn(h, W, norm2):
    return pl.pallas_call(
        _matmul_body,
        grid=(N_NODES // M_BLK,),
        in_specs=[
            pl.BlockSpec((M_BLK, IN_F), lambda i: (i, 0)),
            pl.BlockSpec((IN_F, OUT_F), lambda i: (0, 0)),
            pl.BlockSpec((M_BLK, 1), lambda i: (i, 0)),
        ],
        out_specs=pl.BlockSpec((NC, M_BLK, HALF_F), lambda i: (0, i, 0)),
        out_shape=jax.ShapeDtypeStruct((NC, N_NODES, HALF_F), jnp.float32),
    )(h, W, norm2)


def _sc_aggregate(projn, sd3, zeros):
    mesh = plsc.VectorSubcoreMesh(
        core_axis_name="c", subcore_axis_name="s", num_cores=NC, num_subcores=NS
    )

    @functools.partial(
        pl.kernel,
        out_type=jax.ShapeDtypeStruct((NC, N_PAD, HALF_F), jnp.float32),
        mesh=mesh,
        scratch_types=[
            pltpu.VMEM((2, HCH, CHUNK), jnp.int32),
            pltpu.VMEM((2, CHUNK, HALF_F), jnp.float32),
            pltpu.VMEM_SHARED((N_PAD, HALF_F), jnp.float32),
            pltpu.SemaphoreType.DMA,
        ],
    )
    def k(projn_hbm, sd_hbm, zeros_hbm, dummy_hbm, out_hbm, sd_v, rowsb, acc, sem):
        c = lax.axis_index("c")
        s = lax.axis_index("s")
        pltpu.sync_copy(zeros_hbm, acc.at[pl.ds(s * ROWS_PT, ROWS_PT)])
        plsc.subcore_barrier()

        table = projn_hbm.at[c]
        rows0 = rowsb.at[0]
        rows1 = rowsb.at[1]

        def wait_rows(buf):
            pltpu.make_async_copy(dummy_hbm, buf, sem).wait()

        for h in range(NHALF):
            pltpu.sync_copy(sd_hbm.at[s, h], sd_v)
            pltpu.async_copy(table.at[sd_v.at[0, 0]], rows0, sem)

            def body(p, carry):
                j = 2 * p
                pltpu.async_copy(table.at[sd_v.at[0, j + 1]], rows1, sem)
                wait_rows(rows0)
                pltpu.sync_copy(rows0, acc.at[sd_v.at[1, j]], add=True)
                pltpu.async_copy(
                    table.at[sd_v.at[0, jnp.minimum(j + 2, HCH - 1)]],
                    rows0, sem)
                wait_rows(rows1)
                pltpu.sync_copy(rows1, acc.at[sd_v.at[1, j + 1]], add=True)
                return carry

            lax.fori_loop(0, HCH // 2, body, 0)
            wait_rows(rows0)
        plsc.subcore_barrier()
        pltpu.sync_copy(
            acc.at[pl.ds(s * ROWS_PT, ROWS_PT)],
            out_hbm.at[c].at[pl.ds(s * ROWS_PT, ROWS_PT)],
        )

    return k(projn, sd3, zeros, zeros[:CHUNK])


def _epilogue_body(agg_ref, n_ref, b_ref, out_ref):
    out_ref[...] = agg_ref[0] * n_ref[...] + b_ref[...]


def _epilogue(agg, norm2, b2):
    return pl.pallas_call(
        _epilogue_body,
        grid=(N_NODES // M_BLK, NC),
        in_specs=[
            pl.BlockSpec((1, M_BLK, HALF_F), lambda i, j: (j, i, 0)),
            pl.BlockSpec((M_BLK, 1), lambda i, j: (i, 0)),
            pl.BlockSpec((1, HALF_F), lambda i, j: (0, j)),
        ],
        out_specs=pl.BlockSpec((M_BLK, HALF_F), lambda i, j: (i, j)),
        out_shape=jax.ShapeDtypeStruct((N_NODES, OUT_F), jnp.float32),
    )(agg, norm2, b2)


def kernel(h, edge_index, norm, W, b):
    sd = edge_index.astype(jnp.int32)
    npad = E_PAD - N_EDGES
    src_p = jnp.concatenate([sd[0], jnp.zeros((npad,), jnp.int32)])
    dst_p = jnp.concatenate([sd[1], jnp.full((npad,), N_NODES, jnp.int32)])
    sd3 = jnp.transpose(
        jnp.stack([src_p, dst_p]).reshape(2, NS, NHALF, HCH, CHUNK),
        (1, 2, 0, 3, 4),
    )
    norm2 = norm.reshape(N_NODES, 1)
    zeros = jnp.zeros((ROWS_PT, HALF_F), jnp.float32)

    projn = _projn(h, W, norm2)
    agg = _sc_aggregate(projn, sd3, zeros)
    return _epilogue(agg, norm2, b.reshape(1, OUT_F))

# --- scband reference (transcript-rebuilt; emitter-appended) ---
"""Pipeline reference for scband-rgcnlayer-18992345383064 (READ-ONLY COPY).

The authoritative reference and input builder live on the scoring server;
editing this copy changes nothing except your own understanding.
"""

import jax, jax.numpy as jnp
import numpy as np

N_NODES = 10000
N_EDGES = 160000
IN_FEATS = 512
OUT_FEATS = 256


def setup_inputs(seed: int = 0) -> dict:
    key = jax.random.key(seed)
    k1, k2, k3, k4, k5 = jax.random.split(key, 5)
    h = jax.random.normal(k1, (N_NODES, IN_FEATS), dtype=jnp.float32)
    edge_index = jax.random.randint(k2, (2, N_EDGES), 0, N_NODES, dtype=jnp.int64)
    norm = jax.random.uniform(k3, (N_NODES,), dtype=jnp.float32)
    stdv = 1.0 / np.sqrt(OUT_FEATS)
    W = jax.random.uniform(k4, (IN_FEATS, OUT_FEATS), dtype=jnp.float32, minval=-stdv, maxval=stdv)
    b = jax.random.uniform(k5, (OUT_FEATS,), dtype=jnp.float32, minval=-stdv, maxval=stdv)
    return {"h": h, "edge_index": edge_index, "norm": norm, "W": W, "b": b}


def reference(h, edge_index, norm, W, b):
    # h = dropout(h)  -- dropout=None, so identity
    # dense projection: h = h @ weight
    h = jnp.dot(h, W)
    # nb_compute: for each node v, sum over in-neighbors nb of nb.h * nb.norm,
    # then multiply by v.norm
    src = edge_index[0]
    dst = edge_index[1]
    msgs = h[src] * norm[src][:, None]            # gather src feats, scale by src norm
    agg = jnp.zeros((h.shape[0], h.shape[1]), dtype=h.dtype).at[dst].add(msgs)  # scatter-add to dst
    agg = agg * norm[:, None]                     # scale by dst norm
    # bias (activation=None)
    out = agg + b
    return out

if __name__ == "__main__":
    import jax
    _d = setup_inputs()
    print(jax.jit(kernel)(*tuple(_d.values())))

</pallas_src>

<mosaic_0001>
#map = affine_map<(d0, d1) -> (0, 0, 0)>
#map1 = affine_map<(d0, d1) -> (0, 0, 0, 0, 0)>
#map2 = affine_map<(d0, d1) -> (0, 0)>
module attributes {stable_mosaic.version = 14 : i64} {
  func.func @k(%arg0: i32, %arg1: i32, %arg2: memref<2x10000x128xf32, #tpu.memory_space<hbm>>, %arg3: memref<16x2x2x40x125xi32, #tpu.memory_space<hbm>>, %arg4: memref<632x128xf32, #tpu.memory_space<hbm>>, %arg5: memref<125x128xf32, #tpu.memory_space<hbm>>, %arg6: memref<2x10112x128xf32, #tpu.memory_space<hbm>>, %arg7: memref<2x40x125xi32, #tpu.memory_space<vmem>>, %arg8: memref<2x125x128xf32, #tpu.memory_space<vmem>>, %arg9: memref<10112x128xf32, #tpu.memory_space<vmem_shared>>, %arg10: memref<!tpu.dma_semaphore, #tpu.memory_space<semaphore_mem>>) attributes {dimension_semantics = [#tpu.dimension_semantics<core_parallel>, #tpu.dimension_semantics<subcore_parallel>], iteration_bounds = array<i64: 2, 16>, scalar_prefetch = 0 : i64, scratch_operands = 4 : i64, tpu.core_type = #tpu.core_type<sc_vector_subcore>, window_params = [{transform_indices = #map}, {transform_indices = #map1}, {transform_indices = #map2}, {transform_indices = #map2}, {transform_indices = #map}]} {
    %mul3A = arith.constant 632 : i32
    %mul3A_0 = arith.muli %arg1, %mul3A : i32
    "tpu.region"() ({
      %run_scoped3A_72 = tpu.sem_alloc : memref<!tpu.dma_semaphore, #tpu.memory_space<semaphore_mem>>
      %dma_start3A_73 = arith.constant 0 : i32
      %dma_start3A_74 = tpu.memref_slice %arg9[%mul3A_0, %dma_start3A_73] : memref<10112x128xf32, #tpu.memory_space<vmem_shared>> -> memref<632x128xf32, #tpu.memory_space<vmem_shared>>
      tpu.enqueue_dma source(%arg4 : memref<632x128xf32, #tpu.memory_space<hbm>>) target(%dma_start3A_74 : memref<632x128xf32, #tpu.memory_space<vmem_shared>>) target_semaphore(%run_scoped3A_72 : memref<!tpu.dma_semaphore, #tpu.memory_space<semaphore_mem>>)
      %dma_wait3A_75 = arith.constant 0 : i32
      %dma_wait3A_76 = tpu.memref_slice %arg9[%mul3A_0, %dma_wait3A_75] : memref<10112x128xf32, #tpu.memory_space<vmem_shared>> -> memref<632x128xf32, #tpu.memory_space<vmem_shared>>
      tpu.wait_dma2 semaphore(%run_scoped3A_72 : memref<!tpu.dma_semaphore, #tpu.memory_space<semaphore_mem>>) src(%arg4 : memref<632x128xf32, #tpu.memory_space<hbm>>) dst(%dma_wait3A_76 : memref<632x128xf32, #tpu.memory_space<vmem_shared>>)
      tpu.yield
    }) : () -> ()
    %barrier3A = arith.constant 0 : index
    tpu.barrier barrier_id(%barrier3A)
    %run_scoped3A = arith.constant 0 : i32
    "tpu.region"() ({
      %run_scoped3A_72 = tpu.sem_alloc : memref<!tpu.dma_semaphore, #tpu.memory_space<semaphore_mem>>
      %dma_start3A_73 = arith.constant 0 : i32
      %dma_start3A_74 = arith.constant 0 : i32
      %dma_start3A_75 = arith.constant 0 : i32
      %dma_start3A_76 = tpu.memref_slice %arg3[%arg1, %run_scoped3A, %dma_start3A_73, %dma_start3A_74, %dma_start3A_75] : memref<16x2x2x40x125xi32, #tpu.memory_space<hbm>> -> memref<1x1x2x40x125xi32, #tpu.memory_space<hbm>>
      %dma_start3A_77 = tpu.memref_squeeze %dma_start3A_76 : memref<1x1x2x40x125xi32, #tpu.memory_space<hbm>> -> memref<2x40x125xi32, #tpu.memory_space<hbm>>
      %dma_start3A_78 = arith.constant 0 : i32
      %dma_start3A_79 = arith.constant 0 : i32
      %dma_start3A_80 = arith.constant 0 : i32
      %dma_start3A_81 = tpu.memref_slice %arg3[%arg1, %run_scoped3A, %dma_start3A_78, %dma_start3A_79, %dma_start3A_80] : memref<16x2x2x40x125xi32, #tpu.memory_space<hbm>> -> memref<1x1x2x40x125xi32, #tpu.memory_space<hbm>>
      %dma_start3A_82 = tpu.memref_squeeze %dma_start3A_81 : memref<1x1x2x40x125xi32, #tpu.memory_space<hbm>> -> memref<2x40x125xi32, #tpu.memory_space<hbm>>
      tpu.enqueue_dma source(%dma_start3A_82 : memref<2x40x125xi32, #tpu.memory_space<hbm>>) target(%arg7 : memref<2x40x125xi32, #tpu.memory_space<vmem>>) target_semaphore(%run_scoped3A_72 : memref<!tpu.dma_semaphore, #tpu.memory_space<semaphore_mem>>)
      %dma_wait3A_83 = arith.constant 0 : i32
      %dma_wait3A_84 = arith.constant 0 : i32
      %dma_wait3A_85 = arith.constant 0 : i32
      %dma_wait3A_86 = tpu.memref_slice %arg3[%arg1, %run_scoped3A, %dma_wait3A_83, %dma_wait3A_84, %dma_wait3A_85] : memref<16x2x2x40x125xi32, #tpu.memory_space<hbm>> -> memref<1x1x2x40x125xi32, #tpu.memory_space<hbm>>
      %dma_wait3A_87 = tpu.memref_squeeze %dma_wait3A_86 : memref<1x1x2x40x125xi32, #tpu.memory_space<hbm>> -> memref<2x40x125xi32, #tpu.memory_space<hbm>>
      %dma_wait3A_88 = arith.constant 0 : i32
      %dma_wait3A_89 = arith.constant 0 : i32
      %dma_wait3A_90 = arith.constant 0 : i32
      %dma_wait3A_91 = tpu.memref_slice %arg3[%arg1, %run_scoped3A, %dma_wait3A_88, %dma_wait3A_89, %dma_wait3A_90] : memref<16x2x2x40x125xi32, #tpu.memory_space<hbm>> -> memref<1x1x2x40x125xi32, #tpu.memory_space<hbm>>
      %dma_wait3A_92 = tpu.memref_squeeze %dma_wait3A_91 : memref<1x1x2x40x125xi32, #tpu.memory_space<hbm>> -> memref<2x40x125xi32, #tpu.memory_space<hbm>>
      tpu.wait_dma2 semaphore(%run_scoped3A_72 : memref<!tpu.dma_semaphore, #tpu.memory_space<semaphore_mem>>) src(%dma_wait3A_92 : memref<2x40x125xi32, #tpu.memory_space<hbm>>) dst(%arg7 : memref<2x40x125xi32, #tpu.memory_space<vmem>>)
      tpu.yield
    }) : () -> ()
    %dma_start3A = arith.constant 0 : i32
    %dma_start3A_1 = arith.constant 0 : i32
    %dma_start3A_2 = arith.constant 0 : i32
    %dma_start3A_3 = arith.constant 0 : i32
    %dma_start3A_4 = arith.constant 0 : i32
    %dma_start3A_5 = tpu.memref_slice %arg8[%dma_start3A_2, %dma_start3A_3, %dma_start3A_4] : memref<2x125x128xf32, #tpu.memory_space<vmem>> -> memref<1x125x128xf32, #tpu.memory_space<vmem>>
    %dma_start3A_6 = tpu.memref_squeeze %dma_start3A_5 : memref<1x125x128xf32, #tpu.memory_space<vmem>> -> memref<125x128xf32, #tpu.memory_space<vmem>>
    %dma_start3A_7 = arith.constant 0 : i32
    %dma_start3A_8 = tpu.memref_slice %arg7[%dma_start3A, %dma_start3A_1, %dma_start3A_7] : memref<2x40x125xi32, #tpu.memory_space<vmem>> -> memref<1x1x125xi32, #tpu.memory_space<vmem>>
    %dma_start3A_9 = tpu.memref_squeeze %dma_start3A_8 : memref<1x1x125xi32, #tpu.memory_space<vmem>> -> memref<125xi32, #tpu.memory_space<vmem>>
    %dma_start3A_10 = arith.constant 0 : i32
    %dma_start3A_11 = arith.constant 0 : i32
    %dma_start3A_12 = tpu.memref_slice %arg2[%arg0, %dma_start3A_10, %dma_start3A_11] : memref<2x10000x128xf32, #tpu.memory_space<hbm>> -> memref<1x10000x128xf32, #tpu.memory_space<hbm>>
    %dma_start3A_13 = tpu.memref_squeeze %dma_start3A_12 : memref<1x10000x128xf32, #tpu.memory_space<hbm>> -> memref<10000x128xf32, #tpu.memory_space<hbm>>
    %dma_start3A_14 = arith.constant 0 : i32
    %dma_start3A_15 = arith.constant 0 : i32
    %dma_start3A_16 = tpu.memref_slice %dma_start3A_13[%dma_start3A_14, %dma_start3A_15] : memref<10000x128xf32, #tpu.memory_space<hbm>> -> memref<10000x128xf32, #tpu.memory_space<hbm>>
    tpu.enqueue_indirect_dma source(%dma_start3A_16 : memref<10000x128xf32, #tpu.memory_space<hbm>>) target(%dma_start3A_6 : memref<125x128xf32, #tpu.memory_space<vmem>>) offsets(%dma_start3A_9 : memref<125xi32, #tpu.memory_space<vmem>>) semaphore(%arg10 : memref<!tpu.dma_semaphore, #tpu.memory_space<semaphore_mem>>)
    %scan3A = arith.constant 0 : i32
    %scan3A_17 = arith.constant 1 : i32
    %scan3A_18 = arith.constant 0 : i32
    %scan3A_19 = arith.constant 0 : i32
    %scan3A_20 = arith.constant 20 : i32
    %scan3A_21 = arith.addi %scan3A_19, %scan3A_20 : i32
    %scan3A_22 = arith.constant 1 : i32
    scf.for %scan3A_72 = %scan3A_19 to %scan3A_21 step %scan3A_22  : i32 {
      %mul3A_73 = arith.constant 2 : i32
      %mul3A_74 = arith.muli %mul3A_73, %scan3A_72 : i32
      %add3A = arith.constant 1 : i32
      %add3A_75 = arith.addi %mul3A_74, %add3A : i32
      %dma_start3A_76 = arith.constant 0 : i32
      %dma_start3A_77 = arith.constant 0 : i32
      %dma_start3A_78 = arith.constant 0 : i32
      %dma_start3A_79 = tpu.memref_slice %arg8[%scan3A_17, %dma_start3A_77, %dma_start3A_78] : memref<2x125x128xf32, #tpu.memory_space<vmem>> -> memref<1x125x128xf32, #tpu.memory_space<vmem>>
      %dma_start3A_80 = tpu.memref_squeeze %dma_start3A_79 : memref<1x125x128xf32, #tpu.memory_space<vmem>> -> memref<125x128xf32, #tpu.memory_space<vmem>>
      %dma_start3A_81 = arith.constant 0 : i32
      %dma_start3A_82 = tpu.memref_slice %arg7[%dma_start3A_76, %add3A_75, %dma_start3A_81] : memref<2x40x125xi32, #tpu.memory_space<vmem>> -> memref<1x1x125xi32, #tpu.memory_space<vmem>>
      %dma_start3A_83 = tpu.memref_squeeze %dma_start3A_82 : memref<1x1x125xi32, #tpu.memory_space<vmem>> -> memref<125xi32, #tpu.memory_space<vmem>>
      %dma_start3A_84 = arith.constant 0 : i32
      %dma_start3A_85 = arith.constant 0 : i32
      %dma_start3A_86 = tpu.memref_slice %arg2[%arg0, %dma_start3A_84, %dma_start3A_85] : memref<2x10000x128xf32, #tpu.memory_space<hbm>> -> memref<1x10000x128xf32, #tpu.memory_space<hbm>>
      %dma_start3A_87 = tpu.memref_squeeze %dma_start3A_86 : memref<1x10000x128xf32, #tpu.memory_space<hbm>> -> memref<10000x128xf32, #tpu.memory_space<hbm>>
      %dma_start3A_88 = arith.constant 0 : i32
      %dma_start3A_89 = arith.constant 0 : i32
      %dma_start3A_90 = tpu.memref_slice %dma_start3A_87[%dma_start3A_88, %dma_start3A_89] : memref<10000x128xf32, #tpu.memory_space<hbm>> -> memref<10000x128xf32, #tpu.memory_space<hbm>>
      tpu.enqueue_indirect_dma source(%dma_start3A_90 : memref<10000x128xf32, #tpu.memory_space<hbm>>) target(%dma_start3A_80 : memref<125x128xf32, #tpu.memory_space<vmem>>) offsets(%dma_start3A_83 : memref<125xi32, #tpu.memory_space<vmem>>) semaphore(%arg10 : memref<!tpu.dma_semaphore, #tpu.memory_space<semaphore_mem>>)
      %dma_wait3A_91 = arith.constant 0 : i32
      %dma_wait3A_92 = arith.constant 0 : i32
      %dma_wait3A_93 = tpu.memref_slice %arg8[%scan3A_18, %dma_wait3A_91, %dma_wait3A_92] : memref<2x125x128xf32, #tpu.memory_space<vmem>> -> memref<1x125x128xf32, #tpu.memory_space<vmem>>
      %dma_wait3A_94 = tpu.memref_squeeze %dma_wait3A_93 : memref<1x125x128xf32, #tpu.memory_space<vmem>> -> memref<125x128xf32, #tpu.memory_space<vmem>>
      %dma_wait3A_95 = arith.constant 0 : i32
      %dma_wait3A_96 = arith.constant 0 : i32
      %dma_wait3A_97 = tpu.memref_slice %arg8[%scan3A_18, %dma_wait3A_95, %dma_wait3A_96] : memref<2x125x128xf32, #tpu.memory_space<vmem>> -> memref<1x125x128xf32, #tpu.memory_space<vmem>>
      %dma_wait3A_98 = tpu.memref_squeeze %dma_wait3A_97 : memref<1x125x128xf32, #tpu.memory_space<vmem>> -> memref<125x128xf32, #tpu.memory_space<vmem>>
      tpu.wait_dma2 semaphore(%arg10 : memref<!tpu.dma_semaphore, #tpu.memory_space<semaphore_mem>>) src(%arg5 : memref<125x128xf32, #tpu.memory_space<hbm>>) dst(%dma_wait3A_98 : memref<125x128xf32, #tpu.memory_space<vmem>>)
      %run_scoped3A_99 = arith.constant 1 : i32
      "tpu.region"() ({
        %run_scoped3A_129 = tpu.sem_alloc : memref<!tpu.dma_semaphore, #tpu.memory_space<semaphore_mem>>
        %dma_start3A_130 = arith.constant 0 : i32
        %dma_start3A_131 = arith.constant 0 : i32
        %dma_start3A_132 = tpu.memref_slice %arg8[%scan3A_18, %dma_start3A_130, %dma_start3A_131] : memref<2x125x128xf32, #tpu.memory_space<vmem>> -> memref<1x125x128xf32, #tpu.memory_space<vmem>>
        %dma_start3A_133 = tpu.memref_squeeze %dma_start3A_132 : memref<1x125x128xf32, #tpu.memory_space<vmem>> -> memref<125x128xf32, #tpu.memory_space<vmem>>
        %dma_start3A_134 = arith.constant 0 : i32
        %dma_start3A_135 = tpu.memref_slice %arg7[%run_scoped3A_99, %mul3A_74, %dma_start3A_134] : memref<2x40x125xi32, #tpu.memory_space<vmem>> -> memref<1x1x125xi32, #tpu.memory_space<vmem>>
        %dma_start3A_136 = tpu.memref_squeeze %dma_start3A_135 : memref<1x1x125xi32, #tpu.memory_space<vmem>> -> memref<125xi32, #tpu.memory_space<vmem>>
        %dma_start3A_137 = arith.constant 0 : i32
        %dma_start3A_138 = arith.constant 0 : i32
        %dma_start3A_139 = tpu.memref_slice %arg9[%dma_start3A_137, %dma_start3A_138] : memref<10112x128xf32, #tpu.memory_space<vmem_shared>> -> memref<10112x128xf32, #tpu.memory_space<vmem_shared>>
        tpu.enqueue_indirect_dma source(%dma_start3A_133 : memref<125x128xf32, #tpu.memory_space<vmem>>) target(%dma_start3A_139 : memref<10112x128xf32, #tpu.memory_space<vmem_shared>>) offsets(%dma_start3A_136 : memref<125xi32, #tpu.memory_space<vmem>>) semaphore(%run_scoped3A_129 : memref<!tpu.dma_semaphore, #tpu.memory_space<semaphore_mem>>) {add = true}
        %dma_wait3A_140 = arith.constant 0 : i32
        %dma_wait3A_141 = arith.constant 0 : i32
        %dma_wait3A_142 = tpu.memref_slice %arg8[%scan3A_18, %dma_wait3A_140, %dma_wait3A_141] : memref<2x125x128xf32, #tpu.memory_space<vmem>> -> memref<1x125x128xf32, #tpu.memory_space<vmem>>
        %dma_wait3A_143 = tpu.memref_squeeze %dma_wait3A_142 : memref<1x125x128xf32, #tpu.memory_space<vmem>> -> memref<125x128xf32, #tpu.memory_space<vmem>>
        %dma_wait3A_144 = arith.constant 0 : i32
        %dma_wait3A_145 = tpu.memref_slice %arg7[%run_scoped3A_99, %mul3A_74, %dma_wait3A_144] : memref<2x40x125xi32, #tpu.memory_space<vmem>> -> memref<1x1x125xi32, #tpu.memory_space<vmem>>
        %dma_wait3A_146 = tpu.memref_squeeze %dma_wait3A_145 : memref<1x1x125xi32, #tpu.memory_space<vmem>> -> memref<125xi32, #tpu.memory_space<vmem>>
        %dma_wait3A_147 = arith.constant 0 : i32
        %dma_wait3A_148 = arith.constant 0 : i32
        %dma_wait3A_149 = tpu.memref_slice %arg9[%dma_wait3A_147, %dma_wait3A_148] : memref<10112x128xf32, #tpu.memory_space<vmem_shared>> -> memref<10112x128xf32, #tpu.memory_space<vmem_shared>>
        tpu.wait_indirect_dma semaphore(%run_scoped3A_129 : memref<!tpu.dma_semaphore, #tpu.memory_space<semaphore_mem>>) src(%dma_wait3A_143 : memref<125x128xf32, #tpu.memory_space<vmem>>) dst(%dma_wait3A_149 : memref<10112x128xf32, #tpu.memory_space<vmem_shared>>)
        tpu.yield
      }) : () -> ()
      %add3A_100 = arith.constant 2 : i32
      %add3A_101 = arith.addi %mul3A_74, %add3A_100 : i32
      %min3A = arith.constant 39 : i32
      %min3A_102 = arith.minsi %add3A_101, %min3A : i32
      %dma_start3A_103 = arith.constant 0 : i32
      %dma_start3A_104 = arith.constant 0 : i32
      %dma_start3A_105 = arith.constant 0 : i32
      %dma_start3A_106 = tpu.memref_slice %arg8[%scan3A_18, %dma_start3A_104, %dma_start3A_105] : memref<2x125x128xf32, #tpu.memory_space<vmem>> -> memref<1x125x128xf32, #tpu.memory_space<vmem>>
      %dma_start3A_107 = tpu.memref_squeeze %dma_start3A_106 : memref<1x125x128xf32, #tpu.memory_space<vmem>> -> memref<125x128xf32, #tpu.memory_space<vmem>>
      %dma_start3A_108 = arith.constant 0 : i32
      %dma_start3A_109 = tpu.memref_slice %arg7[%dma_start3A_103, %min3A_102, %dma_start3A_108] : memref<2x40x125xi32, #tpu.memory_space<vmem>> -> memref<1x1x125xi32, #tpu.memory_space<vmem>>
      %dma_start3A_110 = tpu.memref_squeeze %dma_start3A_109 : memref<1x1x125xi32, #tpu.memory_space<vmem>> -> memref<125xi32, #tpu.memory_space<vmem>>
      %dma_start3A_111 = arith.constant 0 : i32
      %dma_start3A_112 = arith.constant 0 : i32
      %dma_start3A_113 = tpu.memref_slice %arg2[%arg0, %dma_start3A_111, %dma_start3A_112] : memref<2x10000x128xf32, #tpu.memory_space<hbm>> -> memref<1x10000x128xf32, #tpu.memory_space<hbm>>
      %dma_start3A_114 = tpu.memref_squeeze %dma_start3A_113 : memref<1x10000x128xf32, #tpu.memory_space<hbm>> -> memref<10000x128xf32, #tpu.memory_space<hbm>>
      %dma_start3A_115 = arith.constant 0 : i32
      %dma_start3A_116 = arith.constant 0 : i32
      %dma_start3A_117 = tpu.memref_slice %dma_start3A_114[%dma_start3A_115, %dma_start3A_116] : memref<10000x128xf32, #tpu.memory_space<hbm>> -> memref<10000x128xf32, #tpu.memory_space<hbm>>
      tpu.enqueue_indirect_dma source(%dma_start3A_117 : memref<10000x128xf32, #tpu.memory_space<hbm>>) target(%dma_start3A_107 : memref<125x128xf32, #tpu.memory_space<vmem>>) offsets(%dma_start3A_110 : memref<125xi32, #tpu.memory_space<vmem>>) semaphore(%arg10 : memref<!tpu.dma_semaphore, #tpu.memory_space<semaphore_mem>>)
      %dma_wait3A_118 = arith.constant 0 : i32
      %dma_wait3A_119 = arith.constant 0 : i32
      %dma_wait3A_120 = tpu.memref_slice %arg8[%scan3A_17, %dma_wait3A_118, %dma_wait3A_119] : memref<2x125x128xf32, #tpu.memory_space<vmem>> -> memref<1x125x128xf32, #tpu.memory_space<vmem>>
      %dma_wait3A_121 = tpu.memref_squeeze %dma_wait3A_120 : memref<1x125x128xf32, #tpu.memory_space<vmem>> -> memref<125x128xf32, #tpu.memory_space<vmem>>
      %dma_wait3A_122 = arith.constant 0 : i32
      %dma_wait3A_123 = arith.constant 0 : i32
      %dma_wait3A_124 = tpu.memref_slice %arg8[%scan3A_17, %dma_wait3A_122, %dma_wait3A_123] : memref<2x125x128xf32, #tpu.memory_space<vmem>> -> memref<1x125x128xf32, #tpu.memory_space<vmem>>
      %dma_wait3A_125 = tpu.memref_squeeze %dma_wait3A_124 : memref<1x125x128xf32, #tpu.memory_space<vmem>> -> memref<125x128xf32, #tpu.memory_space<vmem>>
      tpu.wait_dma2 semaphore(%arg10 : memref<!tpu.dma_semaphore, #tpu.memory_space<semaphore_mem>>) src(%arg5 : memref<125x128xf32, #tpu.memory_space<hbm>>) dst(%dma_wait3A_125 : memref<125x128xf32, #tpu.memory_space<vmem>>)
      %add3A_126 = arith.constant 1 : i32
      %add3A_127 = arith.addi %mul3A_74, %add3A_126 : i32
      %run_scoped3A_128 = arith.constant 1 : i32
      "tpu.region"() ({
        %run_scoped3A_129 = tpu.sem_alloc : memref<!tpu.dma_semaphore, #tpu.memory_space<semaphore_mem>>
        %dma_start3A_130 = arith.constant 0 : i32
        %dma_start3A_131 = arith.constant 0 : i32
        %dma_start3A_132 = tpu.memref_slice %arg8[%scan3A_17, %dma_start3A_130, %dma_start3A_131] : memref<2x125x128xf32, #tpu.memory_space<vmem>> -> memref<1x125x128xf32, #tpu.memory_space<vmem>>
        %dma_start3A_133 = tpu.memref_squeeze %dma_start3A_132 : memref<1x125x128xf32, #tpu.memory_space<vmem>> -> memref<125x128xf32, #tpu.memory_space<vmem>>
        %dma_start3A_134 = arith.constant 0 : i32
        %dma_start3A_135 = tpu.memref_slice %arg7[%run_scoped3A_128, %add3A_127, %dma_start3A_134] : memref<2x40x125xi32, #tpu.memory_space<vmem>> -> memref<1x1x125xi32, #tpu.memory_space<vmem>>
        %dma_start3A_136 = tpu.memref_squeeze %dma_start3A_135 : memref<1x1x125xi32, #tpu.memory_space<vmem>> -> memref<125xi32, #tpu.memory_space<vmem>>
        %dma_start3A_137 = arith.constant 0 : i32
        %dma_start3A_138 = arith.constant 0 : i32
        %dma_start3A_139 = tpu.memref_slice %arg9[%dma_start3A_137, %dma_start3A_138] : memref<10112x128xf32, #tpu.memory_space<vmem_shared>> -> memref<10112x128xf32, #tpu.memory_space<vmem_shared>>
        tpu.enqueue_indirect_dma source(%dma_start3A_133 : memref<125x128xf32, #tpu.memory_space<vmem>>) target(%dma_start3A_139 : memref<10112x128xf32, #tpu.memory_space<vmem_shared>>) offsets(%dma_start3A_136 : memref<125xi32, #tpu.memory_space<vmem>>) semaphore(%run_scoped3A_129 : memref<!tpu.dma_semaphore, #tpu.memory_space<semaphore_mem>>) {add = true}
        %dma_wait3A_140 = arith.constant 0 : i32
        %dma_wait3A_141 = arith.constant 0 : i32
        %dma_wait3A_142 = tpu.memref_slice %arg8[%scan3A_17, %dma_wait3A_140, %dma_wait3A_141] : memref<2x125x128xf32, #tpu.memory_space<vmem>> -> memref<1x125x128xf32, #tpu.memory_space<vmem>>
        %dma_wait3A_143 = tpu.memref_squeeze %dma_wait3A_142 : memref<1x125x128xf32, #tpu.memory_space<vmem>> -> memref<125x128xf32, #tpu.memory_space<vmem>>
        %dma_wait3A_144 = arith.constant 0 : i32
        %dma_wait3A_145 = tpu.memref_slice %arg7[%run_scoped3A_128, %add3A_127, %dma_wait3A_144] : memref<2x40x125xi32, #tpu.memory_space<vmem>> -> memref<1x1x125xi32, #tpu.memory_space<vmem>>
        %dma_wait3A_146 = tpu.memref_squeeze %dma_wait3A_145 : memref<1x1x125xi32, #tpu.memory_space<vmem>> -> memref<125xi32, #tpu.memory_space<vmem>>
        %dma_wait3A_147 = arith.constant 0 : i32
        %dma_wait3A_148 = arith.constant 0 : i32
        %dma_wait3A_149 = tpu.memref_slice %arg9[%dma_wait3A_147, %dma_wait3A_148] : memref<10112x128xf32, #tpu.memory_space<vmem_shared>> -> memref<10112x128xf32, #tpu.memory_space<vmem_shared>>
        tpu.wait_indirect_dma semaphore(%run_scoped3A_129 : memref<!tpu.dma_semaphore, #tpu.memory_space<semaphore_mem>>) src(%dma_wait3A_143 : memref<125x128xf32, #tpu.memory_space<vmem>>) dst(%dma_wait3A_149 : memref<10112x128xf32, #tpu.memory_space<vmem_shared>>)
        tpu.yield
      }) : () -> ()
    }
    %scan3A_23 = arith.constant 20 : i32
    %dma_wait3A = arith.constant 0 : i32
    %dma_wait3A_24 = arith.constant 0 : i32
    %dma_wait3A_25 = arith.constant 0 : i32
    %dma_wait3A_26 = tpu.memref_slice %arg8[%dma_wait3A, %dma_wait3A_24, %dma_wait3A_25] : memref<2x125x128xf32, #tpu.memory_space<vmem>> -> memref<1x125x128xf32, #tpu.memory_space<vmem>>
    %dma_wait3A_27 = tpu.memref_squeeze %dma_wait3A_26 : memref<1x125x128xf32, #tpu.memory_space<vmem>> -> memref<125x128xf32, #tpu.memory_space<vmem>>
    %dma_wait3A_28 = arith.constant 0 : i32
    %dma_wait3A_29 = arith.constant 0 : i32
    %dma_wait3A_30 = tpu.memref_slice %arg8[%dma_wait3A, %dma_wait3A_28, %dma_wait3A_29] : memref<2x125x128xf32, #tpu.memory_space<vmem>> -> memref<1x125x128xf32, #tpu.memory_space<vmem>>
    %dma_wait3A_31 = tpu.memref_squeeze %dma_wait3A_30 : memref<1x125x128xf32, #tpu.memory_space<vmem>> -> memref<125x128xf32, #tpu.memory_space<vmem>>
    tpu.wait_dma2 semaphore(%arg10 : memref<!tpu.dma_semaphore, #tpu.memory_space<semaphore_mem>>) src(%arg5 : memref<125x128xf32, #tpu.memory_space<hbm>>) dst(%dma_wait3A_31 : memref<125x128xf32, #tpu.memory_space<vmem>>)
    %run_scoped3A_32 = arith.constant 1 : i32
    "tpu.region"() ({
      %run_scoped3A_72 = tpu.sem_alloc : memref<!tpu.dma_semaphore, #tpu.memory_space<semaphore_mem>>
      %dma_start3A_73 = arith.constant 0 : i32
      %dma_start3A_74 = arith.constant 0 : i32
      %dma_start3A_75 = arith.constant 0 : i32
      %dma_start3A_76 = tpu.memref_slice %arg3[%arg1, %run_scoped3A_32, %dma_start3A_73, %dma_start3A_74, %dma_start3A_75] : memref<16x2x2x40x125xi32, #tpu.memory_space<hbm>> -> memref<1x1x2x40x125xi32, #tpu.memory_space<hbm>>
      %dma_start3A_77 = tpu.memref_squeeze %dma_start3A_76 : memref<1x1x2x40x125xi32, #tpu.memory_space<hbm>> -> memref<2x40x125xi32, #tpu.memory_space<hbm>>
      %dma_start3A_78 = arith.constant 0 : i32
      %dma_start3A_79 = arith.constant 0 : i32
      %dma_start3A_80 = arith.constant 0 : i32
      %dma_start3A_81 = tpu.memref_slice %arg3[%arg1, %run_scoped3A_32, %dma_start3A_78, %dma_start3A_79, %dma_start3A_80] : memref<16x2x2x40x125xi32, #tpu.memory_space<hbm>> -> memref<1x1x2x40x125xi32, #tpu.memory_space<hbm>>
      %dma_start3A_82 = tpu.memref_squeeze %dma_start3A_81 : memref<1x1x2x40x125xi32, #tpu.memory_space<hbm>> -> memref<2x40x125xi32, #tpu.memory_space<hbm>>
      tpu.enqueue_dma source(%dma_start3A_82 : memref<2x40x125xi32, #tpu.memory_space<hbm>>) target(%arg7 : memref<2x40x125xi32, #tpu.memory_space<vmem>>) target_semaphore(%run_scoped3A_72 : memref<!tpu.dma_semaphore, #tpu.memory_space<semaphore_mem>>)
      %dma_wait3A_83 = arith.constant 0 : i32
      %dma_wait3A_84 = arith.constant 0 : i32
      %dma_wait3A_85 = arith.constant 0 : i32
      %dma_wait3A_86 = tpu.memref_slice %arg3[%arg1, %run_scoped3A_32, %dma_wait3A_83, %dma_wait3A_84, %dma_wait3A_85] : memref<16x2x2x40x125xi32, #tpu.memory_space<hbm>> -> memref<1x1x2x40x125xi32, #tpu.memory_space<hbm>>
      %dma_wait3A_87 = tpu.memref_squeeze %dma_wait3A_86 : memref<1x1x2x40x125xi32, #tpu.memory_space<hbm>> -> memref<2x40x125xi32, #tpu.memory_space<hbm>>
      %dma_wait3A_88 = arith.constant 0 : i32
      %dma_wait3A_89 = arith.constant 0 : i32
      %dma_wait3A_90 = arith.constant 0 : i32
      %dma_wait3A_91 = tpu.memref_slice %arg3[%arg1, %run_scoped3A_32, %dma_wait3A_88, %dma_wait3A_89, %dma_wait3A_90] : memref<16x2x2x40x125xi32, #tpu.memory_space<hbm>> -> memref<1x1x2x40x125xi32, #tpu.memory_space<hbm>>
      %dma_wait3A_92 = tpu.memref_squeeze %dma_wait3A_91 : memref<1x1x2x40x125xi32, #tpu.memory_space<hbm>> -> memref<2x40x125xi32, #tpu.memory_space<hbm>>
      tpu.wait_dma2 semaphore(%run_scoped3A_72 : memref<!tpu.dma_semaphore, #tpu.memory_space<semaphore_mem>>) src(%dma_wait3A_92 : memref<2x40x125xi32, #tpu.memory_space<hbm>>) dst(%arg7 : memref<2x40x125xi32, #tpu.memory_space<vmem>>)
      tpu.yield
    }) : () -> ()
    %dma_start3A_33 = arith.constant 0 : i32
    %dma_start3A_34 = arith.constant 0 : i32
    %dma_start3A_35 = arith.constant 0 : i32
    %dma_start3A_36 = arith.constant 0 : i32
    %dma_start3A_37 = arith.constant 0 : i32
    %dma_start3A_38 = tpu.memref_slice %arg8[%dma_start3A_35, %dma_start3A_36, %dma_start3A_37] : memref<2x125x128xf32, #tpu.memory_space<vmem>> -> memref<1x125x128xf32, #tpu.memory_space<vmem>>
    %dma_start3A_39 = tpu.memref_squeeze %dma_start3A_38 : memref<1x125x128xf32, #tpu.memory_space<vmem>> -> memref<125x128xf32, #tpu.memory_space<vmem>>
    %dma_start3A_40 = arith.constant 0 : i32
    %dma_start3A_41 = tpu.memref_slice %arg7[%dma_start3A_33, %dma_start3A_34, %dma_start3A_40] : memref<2x40x125xi32, #tpu.memory_space<vmem>> -> memref<1x1x125xi32, #tpu.memory_space<vmem>>
    %dma_start3A_42 = tpu.memref_squeeze %dma_start3A_41 : memref<1x1x125xi32, #tpu.memory_space<vmem>> -> memref<125xi32, #tpu.memory_space<vmem>>
    %dma_start3A_43 = arith.constant 0 : i32
    %dma_start3A_44 = arith.constant 0 : i32
    %dma_start3A_45 = tpu.memref_slice %arg2[%arg0, %dma_start3A_43, %dma_start3A_44] : memref<2x10000x128xf32, #tpu.memory_space<hbm>> -> memref<1x10000x128xf32, #tpu.memory_space<hbm>>
    %dma_start3A_46 = tpu.memref_squeeze %dma_start3A_45 : memref<1x10000x128xf32, #tpu.memory_space<hbm>> -> memref<10000x128xf32, #tpu.memory_space<hbm>>
    %dma_start3A_47 = arith.constant 0 : i32
    %dma_start3A_48 = arith.constant 0 : i32
    %dma_start3A_49 = tpu.memref_slice %dma_start3A_46[%dma_start3A_47, %dma_start3A_48] : memref<10000x128xf32, #tpu.memory_space<hbm>> -> memref<10000x128xf32, #tpu.memory_space<hbm>>
    tpu.enqueue_indirect_dma source(%dma_start3A_49 : memref<10000x128xf32, #tpu.memory_space<hbm>>) target(%dma_start3A_39 : memref<125x128xf32, #tpu.memory_space<vmem>>) offsets(%dma_start3A_42 : memref<125xi32, #tpu.memory_space<vmem>>) semaphore(%arg10 : memref<!tpu.dma_semaphore, #tpu.memory_space<semaphore_mem>>)
    %scan3A_50 = arith.constant 0 : i32
    %scan3A_51 = arith.constant 1 : i32
    %scan3A_52 = arith.constant 0 : i32
    %scan3A_53 = arith.constant 0 : i32
    %scan3A_54 = arith.constant 20 : i32
    %scan3A_55 = arith.addi %scan3A_53, %scan3A_54 : i32
    %scan3A_56 = arith.constant 1 : i32
    scf.for %scan3A_72 = %scan3A_53 to %scan3A_55 step %scan3A_56  : i32 {
      %mul3A_73 = arith.constant 2 : i32
      %mul3A_74 = arith.muli %mul3A_73, %scan3A_72 : i32
      %add3A = arith.constant 1 : i32
      %add3A_75 = arith.addi %mul3A_74, %add3A : i32
      %dma_start3A_76 = arith.constant 0 : i32
      %dma_start3A_77 = arith.constant 0 : i32
      %dma_start3A_78 = arith.constant 0 : i32
      %dma_start3A_79 = tpu.memref_slice %arg8[%scan3A_51, %dma_start3A_77, %dma_start3A_78] : memref<2x125x128xf32, #tpu.memory_space<vmem>> -> memref<1x125x128xf32, #tpu.memory_space<vmem>>
      %dma_start3A_80 = tpu.memref_squeeze %dma_start3A_79 : memref<1x125x128xf32, #tpu.memory_space<vmem>> -> memref<125x128xf32, #tpu.memory_space<vmem>>
      %dma_start3A_81 = arith.constant 0 : i32
      %dma_start3A_82 = tpu.memref_slice %arg7[%dma_start3A_76, %add3A_75, %dma_start3A_81] : memref<2x40x125xi32, #tpu.memory_space<vmem>> -> memref<1x1x125xi32, #tpu.memory_space<vmem>>
      %dma_start3A_83 = tpu.memref_squeeze %dma_start3A_82 : memref<1x1x125xi32, #tpu.memory_space<vmem>> -> memref<125xi32, #tpu.memory_space<vmem>>
      %dma_start3A_84 = arith.constant 0 : i32
      %dma_start3A_85 = arith.constant 0 : i32
      %dma_start3A_86 = tpu.memref_slice %arg2[%arg0, %dma_start3A_84, %dma_start3A_85] : memref<2x10000x128xf32, #tpu.memory_space<hbm>> -> memref<1x10000x128xf32, #tpu.memory_space<hbm>>
      %dma_start3A_87 = tpu.memref_squeeze %dma_start3A_86 : memref<1x10000x128xf32, #tpu.memory_space<hbm>> -> memref<10000x128xf32, #tpu.memory_space<hbm>>
      %dma_start3A_88 = arith.constant 0 : i32
      %dma_start3A_89 = arith.constant 0 : i32
      %dma_start3A_90 = tpu.memref_slice %dma_start3A_87[%dma_start3A_88, %dma_start3A_89] : memref<10000x128xf32, #tpu.memory_space<hbm>> -> memref<10000x128xf32, #tpu.memory_space<hbm>>
      tpu.enqueue_indirect_dma source(%dma_start3A_90 : memref<10000x128xf32, #tpu.memory_space<hbm>>) target(%dma_start3A_80 : memref<125x128xf32, #tpu.memory_space<vmem>>) offsets(%dma_start3A_83 : memref<125xi32, #tpu.memory_space<vmem>>) semaphore(%arg10 : memref<!tpu.dma_semaphore, #tpu.memory_space<semaphore_mem>>)
      %dma_wait3A_91 = arith.constant 0 : i32
      %dma_wait3A_92 = arith.constant 0 : i32
      %dma_wait3A_93 = tpu.memref_slice %arg8[%scan3A_52, %dma_wait3A_91, %dma_wait3A_92] : memref<2x125x128xf32, #tpu.memory_space<vmem>> -> memref<1x125x128xf32, #tpu.memory_space<vmem>>
      %dma_wait3A_94 = tpu.memref_squeeze %dma_wait3A_93 : memref<1x125x128xf32, #tpu.memory_space<vmem>> -> memref<125x128xf32, #tpu.memory_space<vmem>>
      %dma_wait3A_95 = arith.constant 0 : i32
      %dma_wait3A_96 = arith.constant 0 : i32
      %dma_wait3A_97 = tpu.memref_slice %arg8[%scan3A_52, %dma_wait3A_95, %dma_wait3A_96] : memref<2x125x128xf32, #tpu.memory_space<vmem>> -> memref<1x125x128xf32, #tpu.memory_space<vmem>>
      %dma_wait3A_98 = tpu.memref_squeeze %dma_wait3A_97 : memref<1x125x128xf32, #tpu.memory_space<vmem>> -> memref<125x128xf32, #tpu.memory_space<vmem>>
      tpu.wait_dma2 semaphore(%arg10 : memref<!tpu.dma_semaphore, #tpu.memory_space<semaphore_mem>>) src(%arg5 : memref<125x128xf32, #tpu.memory_space<hbm>>) dst(%dma_wait3A_98 : memref<125x128xf32, #tpu.memory_space<vmem>>)
      %run_scoped3A_99 = arith.constant 1 : i32
      "tpu.region"() ({
        %run_scoped3A_129 = tpu.sem_alloc : memref<!tpu.dma_semaphore, #tpu.memory_space<semaphore_mem>>
        %dma_start3A_130 = arith.constant 0 : i32
        %dma_start3A_131 = arith.constant 0 : i32
        %dma_start3A_132 = tpu.memref_slice %arg8[%scan3A_52, %dma_start3A_130, %dma_start3A_131] : memref<2x125x128xf32, #tpu.memory_space<vmem>> -> memref<1x125x128xf32, #tpu.memory_space<vmem>>
        %dma_start3A_133 = tpu.memref_squeeze %dma_start3A_132 : memref<1x125x128xf32, #tpu.memory_space<vmem>> -> memref<125x128xf32, #tpu.memory_space<vmem>>
        %dma_start3A_134 = arith.constant 0 : i32
        %dma_start3A_135 = tpu.memref_slice %arg7[%run_scoped3A_99, %mul3A_74, %dma_start3A_134] : memref<2x40x125xi32, #tpu.memory_space<vmem>> -> memref<1x1x125xi32, #tpu.memory_space<vmem>>
        %dma_start3A_136 = tpu.memref_squeeze %dma_start3A_135 : memref<1x1x125xi32, #tpu.memory_space<vmem>> -> memref<125xi32, #tpu.memory_space<vmem>>
        %dma_start3A_137 = arith.constant 0 : i32
        %dma_start3A_138 = arith.constant 0 : i32
        %dma_start3A_139 = tpu.memref_slice %arg9[%dma_start3A_137, %dma_start3A_138] : memref<10112x128xf32, #tpu.memory_space<vmem_shared>> -> memref<10112x128xf32, #tpu.memory_space<vmem_shared>>
        tpu.enqueue_indirect_dma source(%dma_start3A_133 : memref<125x128xf32, #tpu.memory_space<vmem>>) target(%dma_start3A_139 : memref<10112x128xf32, #tpu.memory_space<vmem_shared>>) offsets(%dma_start3A_136 : memref<125xi32, #tpu.memory_space<vmem>>) semaphore(%run_scoped3A_129 : memref<!tpu.dma_semaphore, #tpu.memory_space<semaphore_mem>>) {add = true}
        %dma_wait3A_140 = arith.constant 0 : i32
        %dma_wait3A_141 = arith.constant 0 : i32
        %dma_wait3A_142 = tpu.memref_slice %arg8[%scan3A_52, %dma_wait3A_140, %dma_wait3A_141] : memref<2x125x128xf32, #tpu.memory_space<vmem>> -> memref<1x125x128xf32, #tpu.memory_space<vmem>>
        %dma_wait3A_143 = tpu.memref_squeeze %dma_wait3A_142 : memref<1x125x128xf32, #tpu.memory_space<vmem>> -> memref<125x128xf32, #tpu.memory_space<vmem>>
        %dma_wait3A_144 = arith.constant 0 : i32
        %dma_wait3A_145 = tpu.memref_slice %arg7[%run_scoped3A_99, %mul3A_74, %dma_wait3A_144] : memref<2x40x125xi32, #tpu.memory_space<vmem>> -> memref<1x1x125xi32, #tpu.memory_space<vmem>>
        %dma_wait3A_146 = tpu.memref_squeeze %dma_wait3A_145 : memref<1x1x125xi32, #tpu.memory_space<vmem>> -> memref<125xi32, #tpu.memory_space<vmem>>
        %dma_wait3A_147 = arith.constant 0 : i32
        %dma_wait3A_148 = arith.constant 0 : i32
        %dma_wait3A_149 = tpu.memref_slice %arg9[%dma_wait3A_147, %dma_wait3A_148] : memref<10112x128xf32, #tpu.memory_space<vmem_shared>> -> memref<10112x128xf32, #tpu.memory_space<vmem_shared>>
        tpu.wait_indirect_dma semaphore(%run_scoped3A_129 : memref<!tpu.dma_semaphore, #tpu.memory_space<semaphore_mem>>) src(%dma_wait3A_143 : memref<125x128xf32, #tpu.memory_space<vmem>>) dst(%dma_wait3A_149 : memref<10112x128xf32, #tpu.memory_space<vmem_shared>>)
        tpu.yield
      }) : () -> ()
      %add3A_100 = arith.constant 2 : i32
      %add3A_101 = arith.addi %mul3A_74, %add3A_100 : i32
      %min3A = arith.constant 39 : i32
      %min3A_102 = arith.minsi %add3A_101, %min3A : i32
      %dma_start3A_103 = arith.constant 0 : i32
      %dma_start3A_104 = arith.constant 0 : i32
      %dma_start3A_105 = arith.constant 0 : i32
      %dma_start3A_106 = tpu.memref_slice %arg8[%scan3A_52, %dma_start3A_104, %dma_start3A_105] : memref<2x125x128xf32, #tpu.memory_space<vmem>> -> memref<1x125x128xf32, #tpu.memory_space<vmem>>
      %dma_start3A_107 = tpu.memref_squeeze %dma_start3A_106 : memref<1x125x128xf32, #tpu.memory_space<vmem>> -> memref<125x128xf32, #tpu.memory_space<vmem>>
      %dma_start3A_108 = arith.constant 0 : i32
      %dma_start3A_109 = tpu.memref_slice %arg7[%dma_start3A_103, %min3A_102, %dma_start3A_108] : memref<2x40x125xi32, #tpu.memory_space<vmem>> -> memref<1x1x125xi32, #tpu.memory_space<vmem>>
      %dma_start3A_110 = tpu.memref_squeeze %dma_start3A_109 : memref<1x1x125xi32, #tpu.memory_space<vmem>> -> memref<125xi32, #tpu.memory_space<vmem>>
      %dma_start3A_111 = arith.constant 0 : i32
      %dma_start3A_112 = arith.constant 0 : i32
      %dma_start3A_113 = tpu.memref_slice %arg2[%arg0, %dma_start3A_111, %dma_start3A_112] : memref<2x10000x128xf32, #tpu.memory_space<hbm>> -> memref<1x10000x128xf32, #tpu.memory_space<hbm>>
      %dma_start3A_114 = tpu.memref_squeeze %dma_start3A_113 : memref<1x10000x128xf32, #tpu.memory_space<hbm>> -> memref<10000x128xf32, #tpu.memory_space<hbm>>
      %dma_start3A_115 = arith.constant 0 : i32
      %dma_start3A_116 = arith.constant 0 : i32
      %dma_start3A_117 = tpu.memref_slice %dma_start3A_114[%dma_start3A_115, %dma_start3A_116] : memref<10000x128xf32, #tpu.memory_space<hbm>> -> memref<10000x128xf32, #tpu.memory_space<hbm>>
      tpu.enqueue_indirect_dma source(%dma_start3A_117 : memref<10000x128xf32, #tpu.memory_space<hbm>>) target(%dma_start3A_107 : memref<125x128xf32, #tpu.memory_space<vmem>>) offsets(%dma_start3A_110 : memref<125xi32, #tpu.memory_space<vmem>>) semaphore(%arg10 : memref<!tpu.dma_semaphore, #tpu.memory_space<semaphore_mem>>)
      %dma_wait3A_118 = arith.constant 0 : i32
      %dma_wait3A_119 = arith.constant 0 : i32
      %dma_wait3A_120 = tpu.memref_slice %arg8[%scan3A_51, %dma_wait3A_118, %dma_wait3A_119] : memref<2x125x128xf32, #tpu.memory_space<vmem>> -> memref<1x125x128xf32, #tpu.memory_space<vmem>>
      %dma_wait3A_121 = tpu.memref_squeeze %dma_wait3A_120 : memref<1x125x128xf32, #tpu.memory_space<vmem>> -> memref<125x128xf32, #tpu.memory_space<vmem>>
      %dma_wait3A_122 = arith.constant 0 : i32
      %dma_wait3A_123 = arith.constant 0 : i32
      %dma_wait3A_124 = tpu.memref_slice %arg8[%scan3A_51, %dma_wait3A_122, %dma_wait3A_123] : memref<2x125x128xf32, #tpu.memory_space<vmem>> -> memref<1x125x128xf32, #tpu.memory_space<vmem>>
      %dma_wait3A_125 = tpu.memref_squeeze %dma_wait3A_124 : memref<1x125x128xf32, #tpu.memory_space<vmem>> -> memref<125x128xf32, #tpu.memory_space<vmem>>
      tpu.wait_dma2 semaphore(%arg10 : memref<!tpu.dma_semaphore, #tpu.memory_space<semaphore_mem>>) src(%arg5 : memref<125x128xf32, #tpu.memory_space<hbm>>) dst(%dma_wait3A_125 : memref<125x128xf32, #tpu.memory_space<vmem>>)
      %add3A_126 = arith.constant 1 : i32
      %add3A_127 = arith.addi %mul3A_74, %add3A_126 : i32
      %run_scoped3A_128 = arith.constant 1 : i32
      "tpu.region"() ({
        %run_scoped3A_129 = tpu.sem_alloc : memref<!tpu.dma_semaphore, #tpu.memory_space<semaphore_mem>>
        %dma_start3A_130 = arith.constant 0 : i32
        %dma_start3A_131 = arith.constant 0 : i32
        %dma_start3A_132 = tpu.memref_slice %arg8[%scan3A_51, %dma_start3A_130, %dma_start3A_131] : memref<2x125x128xf32, #tpu.memory_space<vmem>> -> memref<1x125x128xf32, #tpu.memory_space<vmem>>
        %dma_start3A_133 = tpu.memref_squeeze %dma_start3A_132 : memref<1x125x128xf32, #tpu.memory_space<vmem>> -> memref<125x128xf32, #tpu.memory_space<vmem>>
        %dma_start3A_134 = arith.constant 0 : i32
        %dma_start3A_135 = tpu.memref_slice %arg7[%run_scoped3A_128, %add3A_127, %dma_start3A_134] : memref<2x40x125xi32, #tpu.memory_space<vmem>> -> memref<1x1x125xi32, #tpu.memory_space<vmem>>
        %dma_start3A_136 = tpu.memref_squeeze %dma_start3A_135 : memref<1x1x125xi32, #tpu.memory_space<vmem>> -> memref<125xi32, #tpu.memory_space<vmem>>
        %dma_start3A_137 = arith.constant 0 : i32
        %dma_start3A_138 = arith.constant 0 : i32
        %dma_start3A_139 = tpu.memref_slice %arg9[%dma_start3A_137, %dma_start3A_138] : memref<10112x128xf32, #tpu.memory_space<vmem_shared>> -> memref<10112x128xf32, #tpu.memory_space<vmem_shared>>
        tpu.enqueue_indirect_dma source(%dma_start3A_133 : memref<125x128xf32, #tpu.memory_space<vmem>>) target(%dma_start3A_139 : memref<10112x128xf32, #tpu.memory_space<vmem_shared>>) offsets(%dma_start3A_136 : memref<125xi32, #tpu.memory_space<vmem>>) semaphore(%run_scoped3A_129 : memref<!tpu.dma_semaphore, #tpu.memory_space<semaphore_mem>>) {add = true}
        %dma_wait3A_140 = arith.constant 0 : i32
        %dma_wait3A_141 = arith.constant 0 : i32
        %dma_wait3A_142 = tpu.memref_slice %arg8[%scan3A_51, %dma_wait3A_140, %dma_wait3A_141] : memref<2x125x128xf32, #tpu.memory_space<vmem>> -> memref<1x125x128xf32, #tpu.memory_space<vmem>>
        %dma_wait3A_143 = tpu.memref_squeeze %dma_wait3A_142 : memref<1x125x128xf32, #tpu.memory_space<vmem>> -> memref<125x128xf32, #tpu.memory_space<vmem>>
        %dma_wait3A_144 = arith.constant 0 : i32
        %dma_wait3A_145 = tpu.memref_slice %arg7[%run_scoped3A_128, %add3A_127, %dma_wait3A_144] : memref<2x40x125xi32, #tpu.memory_space<vmem>> -> memref<1x1x125xi32, #tpu.memory_space<vmem>>
        %dma_wait3A_146 = tpu.memref_squeeze %dma_wait3A_145 : memref<1x1x125xi32, #tpu.memory_space<vmem>> -> memref<125xi32, #tpu.memory_space<vmem>>
        %dma_wait3A_147 = arith.constant 0 : i32
        %dma_wait3A_148 = arith.constant 0 : i32
        %dma_wait3A_149 = tpu.memref_slice %arg9[%dma_wait3A_147, %dma_wait3A_148] : memref<10112x128xf32, #tpu.memory_space<vmem_shared>> -> memref<10112x128xf32, #tpu.memory_space<vmem_shared>>
        tpu.wait_indirect_dma semaphore(%run_scoped3A_129 : memref<!tpu.dma_semaphore, #tpu.memory_space<semaphore_mem>>) src(%dma_wait3A_143 : memref<125x128xf32, #tpu.memory_space<vmem>>) dst(%dma_wait3A_149 : memref<10112x128xf32, #tpu.memory_space<vmem_shared>>)
        tpu.yield
      }) : () -> ()
    }
    %scan3A_57 = arith.constant 20 : i32
    %dma_wait3A_58 = arith.constant 0 : i32
    %dma_wait3A_59 = arith.constant 0 : i32
    %dma_wait3A_60 = arith.constant 0 : i32
    %dma_wait3A_61 = tpu.memref_slice %arg8[%dma_wait3A_58, %dma_wait3A_59, %dma_wait3A_60] : memref<2x125x128xf32, #tpu.memory_space<vmem>> -> memref<1x125x128xf32, #tpu.memory_space<vmem>>
    %dma_wait3A_62 = tpu.memref_squeeze %dma_wait3A_61 : memref<1x125x128xf32, #tpu.memory_space<vmem>> -> memref<125x128xf32, #tpu.memory_space<vmem>>
    %dma_wait3A_63 = arith.constant 0 : i32
    %dma_wait3A_64 = arith.constant 0 : i32
    %dma_wait3A_65 = tpu.memref_slice %arg8[%dma_wait3A_58, %dma_wait3A_63, %dma_wait3A_64] : memref<2x125x128xf32, #tpu.memory_space<vmem>> -> memref<1x125x128xf32, #tpu.memory_space<vmem>>
    %dma_wait3A_66 = tpu.memref_squeeze %dma_wait3A_65 : memref<1x125x128xf32, #tpu.memory_space<vmem>> -> memref<125x128xf32, #tpu.memory_space<vmem>>
    tpu.wait_dma2 semaphore(%arg10 : memref<!tpu.dma_semaphore, #tpu.memory_space<semaphore_mem>>) src(%arg5 : memref<125x128xf32, #tpu.memory_space<hbm>>) dst(%dma_wait3A_66 : memref<125x128xf32, #tpu.memory_space<vmem>>)
    %barrier3A_67 = arith.constant 0 : index
    tpu.barrier barrier_id(%barrier3A_67)
    %mul3A_68 = arith.constant 632 : i32
    %mul3A_69 = arith.muli %arg1, %mul3A_68 : i32
    %mul3A_70 = arith.constant 632 : i32
    %mul3A_71 = arith.muli %arg1, %mul3A_70 : i32
    "tpu.region"() ({
      %run_scoped3A_72 = tpu.sem_alloc : memref<!tpu.dma_semaphore, #tpu.memory_space<semaphore_mem>>
      %dma_start3A_73 = arith.constant 0 : i32
      %dma_start3A_74 = arith.constant 0 : i32
      %dma_start3A_75 = tpu.memref_slice %arg6[%arg0, %dma_start3A_73, %dma_start3A_74] : memref<2x10112x128xf32, #tpu.memory_space<hbm>> -> memref<1x10112x128xf32, #tpu.memory_space<hbm>>
      %dma_start3A_76 = tpu.memref_squeeze %dma_start3A_75 : memref<1x10112x128xf32, #tpu.memory_space<hbm>> -> memref<10112x128xf32, #tpu.memory_space<hbm>>
      %dma_start3A_77 = arith.constant 0 : i32
      %dma_start3A_78 = tpu.memref_slice %dma_start3A_76[%mul3A_71, %dma_start3A_77] : memref<10112x128xf32, #tpu.memory_space<hbm>> -> memref<632x128xf32, #tpu.memory_space<hbm>>
      %dma_start3A_79 = arith.constant 0 : i32
      %dma_start3A_80 = tpu.memref_slice %arg9[%mul3A_69, %dma_start3A_79] : memref<10112x128xf32, #tpu.memory_space<vmem_shared>> -> memref<632x128xf32, #tpu.memory_space<vmem_shared>>
      tpu.enqueue_dma source(%dma_start3A_80 : memref<632x128xf32, #tpu.memory_space<vmem_shared>>) target(%dma_start3A_78 : memref<632x128xf32, #tpu.memory_space<hbm>>) target_semaphore(%run_scoped3A_72 : memref<!tpu.dma_semaphore, #tpu.memory_space<semaphore_mem>>)
      %dma_wait3A_81 = arith.constant 0 : i32
      %dma_wait3A_82 = arith.constant 0 : i32
      %dma_wait3A_83 = tpu.memref_slice %arg6[%arg0, %dma_wait3A_81, %dma_wait3A_82] : memref<2x10112x128xf32, #tpu.memory_space<hbm>> -> memref<1x10112x128xf32, #tpu.memory_space<hbm>>
      %dma_wait3A_84 = tpu.memref_squeeze %dma_wait3A_83 : memref<1x10112x128xf32, #tpu.memory_space<hbm>> -> memref<10112x128xf32, #tpu.memory_space<hbm>>
      %dma_wait3A_85 = arith.constant 0 : i32
      %dma_wait3A_86 = tpu.memref_slice %dma_wait3A_84[%mul3A_71, %dma_wait3A_85] : memref<10112x128xf32, #tpu.memory_space<hbm>> -> memref<632x128xf32, #tpu.memory_space<hbm>>
      %dma_wait3A_87 = arith.constant 0 : i32
      %dma_wait3A_88 = tpu.memref_slice %arg9[%mul3A_69, %dma_wait3A_87] : memref<10112x128xf32, #tpu.memory_space<vmem_shared>> -> memref<632x128xf32, #tpu.memory_space<vmem_shared>>
      tpu.wait_dma2 semaphore(%run_scoped3A_72 : memref<!tpu.dma_semaphore, #tpu.memory_space<semaphore_mem>>) src(%dma_wait3A_88 : memref<632x128xf32, #tpu.memory_space<vmem_shared>>) dst(%dma_wait3A_86 : memref<632x128xf32, #tpu.memory_space<hbm>>)
      tpu.yield
    }) : () -> ()
    return
  }
}

module attributes {stable_mosaic.version = 14 : i64} {
  func.func @_matmul_body(%arg0: i32, %arg1: memref<1000x512xf32, #tpu.memory_space<vmem>>, %arg2: memref<512x256xf32, #tpu.memory_space<vmem>>, %arg3: memref<1000x1xf32, #tpu.memory_space<vmem>>, %arg4: memref<2x1000x128xf32, #tpu.memory_space<vmem>>) attributes {dimension_semantics = [#tpu.dimension_semantics<arbitrary>], iteration_bounds = array<i64: 10>, scalar_prefetch = 0 : i64, scratch_operands = 0 : i64, tpu.core_type = #tpu.core_type<tc>, window_params = [{transform_indices = @transform_0, window_bounds = array<i64: 1000, 512>}, {pipeline_mode = #tpu.pipeline_mode<synchronous>, transform_indices = @transform_1, window_bounds = array<i64: 512, 256>}, {transform_indices = @transform_2, window_bounds = array<i64: 1000, 1>}, {transform_indices = @transform_3, window_bounds = array<i64: 2, 1000, 128>}]} {
    %get3A = arith.constant 0 : index
    %get3A_0 = arith.constant 0 : index
    %get3A_1 = vector.load %arg1[%get3A, %get3A_0] : memref<1000x512xf32, #tpu.memory_space<vmem>>, vector<1000x512xf32>
    %get3A_2 = arith.constant 0 : index
    %get3A_3 = arith.constant 0 : index
    %get3A_4 = vector.load %arg2[%get3A_2, %get3A_3] : memref<512x256xf32, #tpu.memory_space<vmem>>, vector<512x256xf32>
    %dot_general3A = arith.constant dense<0.000000e+00> : vector<1000x256xf32>
    %dot_general3A_5 = tpu.matmul %get3A_1, %get3A_4, %dot_general3A {dimension_numbers = #tpu.dot_dimension_numbers<[1], [0], [0], [1], [0, 0, 1, 1], [], []>, transpose_lhs_hint = false} : vector<1000x512xf32>, vector<512x256xf32>, vector<1000x256xf32> -> vector<1000x256xf32>
    %get3A_6 = arith.constant 0 : index
    %get3A_7 = arith.constant 0 : index
    %get3A_8 = vector.load %arg3[%get3A_6, %get3A_7] : memref<1000x1xf32, #tpu.memory_space<vmem>>, vector<1000x1xf32>
    %mul3A = vector.broadcast %get3A_8 : vector<1000x1xf32> to vector<1000x256xf32>
    %mul3A_9 = arith.mulf %dot_general3A_5, %mul3A : vector<1000x256xf32>
    %slice3A = vector.extract_strided_slice %mul3A_9 {offsets = [0, 0], sizes = [1000, 128], strides = [1, 1]} : vector<1000x256xf32> to vector<1000x128xf32>
    %swap3A = arith.constant 0 : index
    %swap3A_10 = arith.constant 0 : index
    %swap3A_11 = arith.constant 0 : index
    %swap3A_12 = vector.load %arg4[%swap3A, %swap3A_10, %swap3A_11] : memref<2x1000x128xf32, #tpu.memory_space<vmem>>, vector<1x1000x128xf32>
    %swap3A_13 = vector.shape_cast %swap3A_12 : vector<1x1000x128xf32> to vector<1000x128xf32>
    %swap3A_14 = vector.shape_cast %slice3A : vector<1000x128xf32> to vector<1x1000x128xf32>
    tpu.vector_store %arg4[%swap3A, %swap3A_10, %swap3A_11], %swap3A_14 {strides = array<i32>} : memref<2x1000x128xf32, #tpu.memory_space<vmem>>, vector<1x1000x128xf32>,
    %slice3A_15 = vector.extract_strided_slice %mul3A_9 {offsets = [0, 128], sizes = [1000, 128], strides = [1, 1]} : vector<1000x256xf32> to vector<1000x128xf32>
    %swap3A_16 = arith.constant 1 : index
    %swap3A_17 = arith.constant 0 : index
    %swap3A_18 = arith.constant 0 : index
    %swap3A_19 = vector.load %arg4[%swap3A_16, %swap3A_17, %swap3A_18] : memref<2x1000x128xf32, #tpu.memory_space<vmem>>, vector<1x1000x128xf32>
    %swap3A_20 = vector.shape_cast %swap3A_19 : vector<1x1000x128xf32> to vector<1000x128xf32>
    %swap3A_21 = vector.shape_cast %slice3A_15 : vector<1000x128xf32> to vector<1x1000x128xf32>
    tpu.vector_store %arg4[%swap3A_16, %swap3A_17, %swap3A_18], %swap3A_21 {strides = array<i32>} : memref<2x1000x128xf32, #tpu.memory_space<vmem>>, vector<1x1000x128xf32>,
    return
  }
  func.func @transform_0(%arg0: i32) -> (i32, i32) {
    %c0_i32 = arith.constant 0 : i32
    %c0_i32_0 = arith.constant 0 : i32
    return %arg0, %c0_i32 : i32, i32
  }
  func.func @transform_1(%arg0: i32) -> (i32, i32) {
    %c0_i32 = arith.constant 0 : i32
    %c0_i32_0 = arith.constant 0 : i32
    %c0_i32_1 = arith.constant 0 : i32
    return %c0_i32, %c0_i32_0 : i32, i32
  }
  func.func @transform_2(%arg0: i32) -> (i32, i32) {
    %c0_i32 = arith.constant 0 : i32
    %c0_i32_0 = arith.constant 0 : i32
    return %arg0, %c0_i32 : i32, i32
  }
  func.func @transform_3(%arg0: i32) -> (i32, i32, i32) {
    %c0_i32 = arith.constant 0 : i32
    %c0_i32_0 = arith.constant 0 : i32
    %c0_i32_1 = arith.constant 0 : i32
    return %c0_i32, %arg0, %c0_i32_0 : i32, i32, i32
  }
}

module attributes {stable_mosaic.version = 14 : i64} {
  func.func @_epilogue_body(%arg0: i32, %arg1: i32, %arg2: memref<1x1000x128xf32, #tpu.memory_space<vmem>>, %arg3: memref<1000x1xf32, #tpu.memory_space<vmem>>, %arg4: memref<1x128xf32, #tpu.memory_space<vmem>>, %arg5: memref<1000x128xf32, #tpu.memory_space<vmem>>) attributes {dimension_semantics = [#tpu.dimension_semantics<arbitrary>, #tpu.dimension_semantics<arbitrary>], iteration_bounds = array<i64: 10, 2>, scalar_prefetch = 0 : i64, scratch_operands = 0 : i64, tpu.core_type = #tpu.core_type<tc>, window_params = [{transform_indices = @transform_0, window_bounds = array<i64: 1, 1000, 128>}, {transform_indices = @transform_1, window_bounds = array<i64: 1000, 1>}, {transform_indices = @transform_2, window_bounds = array<i64: 1, 128>}, {transform_indices = @transform_3, window_bounds = array<i64: 1000, 128>}]} {
    %get3A = arith.constant 0 : index
    %get3A_0 = arith.constant 0 : index
    %get3A_1 = arith.constant 0 : index
    %get3A_2 = vector.load %arg2[%get3A, %get3A_0, %get3A_1] : memref<1x1000x128xf32, #tpu.memory_space<vmem>>, vector<1x1000x128xf32>
    %get3A_3 = vector.shape_cast %get3A_2 : vector<1x1000x128xf32> to vector<1000x128xf32>
    %get3A_4 = arith.constant 0 : index
    %get3A_5 = arith.constant 0 : index
    %get3A_6 = vector.load %arg3[%get3A_4, %get3A_5] : memref<1000x1xf32, #tpu.memory_space<vmem>>, vector<1000x1xf32>
    %mul3A = vector.broadcast %get3A_6 : vector<1000x1xf32> to vector<1000x128xf32>
    %mul3A_7 = arith.mulf %get3A_3, %mul3A : vector<1000x128xf32>
    %get3A_8 = arith.constant 0 : index
    %get3A_9 = arith.constant 0 : index
    %get3A_10 = vector.load %arg4[%get3A_8, %get3A_9] : memref<1x128xf32, #tpu.memory_space<vmem>>, vector<1x128xf32>
    %add3A = vector.broadcast %get3A_10 : vector<1x128xf32> to vector<1000x128xf32>
    %add3A_11 = arith.addf %mul3A_7, %add3A : vector<1000x128xf32>
    %swap3A = arith.constant 0 : index
    %swap3A_12 = arith.constant 0 : index
    %swap3A_13 = vector.load %arg5[%swap3A, %swap3A_12] : memref<1000x128xf32, #tpu.memory_space<vmem>>, vector<1000x128xf32>
    tpu.vector_store %arg5[%swap3A, %swap3A_12], %add3A_11 {strides = array<i32>} : memref<1000x128xf32, #tpu.memory_space<vmem>>, vector<1000x128xf32>,
    return
  }
  func.func @transform_0(%arg0: i32, %arg1: i32) -> (i32, i32, i32) {
    %c0_i32 = arith.constant 0 : i32
    %c0_i32_0 = arith.constant 0 : i32
    return %arg1, %arg0, %c0_i32 : i32, i32, i32
  }
  func.func @transform_1(%arg0: i32, %arg1: i32) -> (i32, i32) {
    %c0_i32 = arith.constant 0 : i32
    %c0_i32_0 = arith.constant 0 : i32
    return %arg0, %c0_i32 : i32, i32
  }
  func.func @transform_2(%arg0: i32, %arg1: i32) -> (i32, i32) {
    %c0_i32 = arith.constant 0 : i32
    %c0_i32_0 = arith.constant 0 : i32
    return %c0_i32, %arg1 : i32, i32
  }
  func.func @transform_3(%arg0: i32, %arg1: i32) -> (i32, i32) {
    %c0_i32 = arith.constant 0 : i32
    return %arg0, %arg1 : i32, i32
  }
}

</mosaic_0001>

<sc_bundles>
// kernel: kernel.5.cloned.1.call-start
scs
__scs_entry_jumppad:
0x0: {  	(pc) =	sbr.rel $0x88, $3  }
0x1: {  	(tag) =	ssettag $0x0;
	lr =	simm.s32 $0x1  }
0x2: {  	[smem:$0x3F9C] =	sst lr;
	_ =	strace $0xD0000000  }
0x3: {  	_ = 	snop  }
0x4: {  	_ = 	snop  }
0x5: {  	_ = 	snop  }
0x6: {  	_ = 	snop  }
0x7: {  	_ = 	snop  }
__scs_overlays_trampoline_lowered:
0x8: {  	[smem:$0x3FAB] =	sst s0  }
0x9: {  	[smem:$0x3FAC] =	sst s1  }
0xa: {  	[smem:$0x3FAD] =	sst s2  }
0xb: {  	[smem:$0x3FAE] =	sst s3  }
0xc: {  	[smem:$0x3FAF] =	sst s4  }
0xd: {  	[smem:$0x3FB0] =	sst s5  }
0xe: {  	[smem:$0x3FB1] =	sst s6  }
0xf: {  	[smem:$0x3FB2] =	sst s7  }
0x10: {  	[smem:$0x3FB3] =	sst s8  }
0x11: {  	[smem:$0x3FB4] =	sst s9;
	s0 =	simm.s32 @!p0 $0x0  }
0x12: {  	s1 =	sld [smem:$0x3F9A];
	s0 =	simm.s32 @p0 $0x1  }
0x13: {  	[smem:$0x3FB5] =	sst s0;
	s0 =	simm.s32 @!p1 $0x0  }
0x14: {  	s2 =	sld [smem:$0x3F99];
	s0 =	simm.s32 @p1 $0x1  }
0x15: {  	[smem:$0x3FB6] =	sst s0;
	s0 =	simm.s32 @!p2 $0x0  }
0x16: {  	s3 =	sld [smem:$0x3FDB];
	s0 =	simm.s32 @p2 $0x1  }
0x17: {  	s4 =	simm.s32 $0x1BF5;
	[smem:$0x3FB8] =	sst s0  }
0x18: {  	s0 =	sld [smem:$0x3F9B];
	_ =	swait.ge [sflag:s4], $0x0  }
0x19: {  	s7 =	sld [smem:$0x3F9C]  }
0x1a: {  	s8 =	sadd.s32 $0xFFFFE003, lr  }
0x1b: {  	s9 =	sadd.s32 $0xFFFFFEF7, lr;
	s5 =	simm.s32 $0xFFFFFFFF;
	p2 =	slt.u32 s8, $0xFFFFF086  }
0x1c: {  	p1 =	slt.u32 s9, $0xF7A;
	s5 =	simm.s32 @!p2 $0x0  }
0x1d: {  	s5 =	simm.s32 @p1 $0x1;
	p0 =	seq.s32 s7, s2  }
0x1e: {  	s7 =	smul.u32 @!p0 $0xF7A, s2;
	p2 =	seq.s32 @!p0 s5, $0x0  }
0x1f: {  	s9 =	smul.u32 $0xF7A, s1;
	s8 =	simm.s32 @!p0 $0x1BF5;
	p2 =	por !p2, p0  }
0x20: {  	[sflag:s8] =	ssyncset.s32 @!p0 $0xFFFFF086;
	s6 =	sadd.s32 @!p0 s3, s7;
	s7 =	simm.s32 @!p0 $0x108  }
0x21: {  	s3 =	sadd.s32 s3, s9;
	s6 =	sadd.s32 @!p0 $0x88, s6;
	s7 =	simm.s32 @p2 $0x1082  }
0x22: {  	[simem:s7], [sflag:s8] =	dma.local @!p0 [hbm:s6], $0xF7A  }
0x23: {  	s9 =	sor.u32 $0xD0000000, s2;
	s6 =	simm.s32 $0x108;
	_ =	swait.ge @!p0 [sflag:s8], $0x0  }
0x24: {  	s3 =	sadd.s32 $0x88, s3;
	s6 =	simm.s32 @!p1 $0x1082;
	[sflag:s4] =	ssyncset.s32 $0xFFFFF086  }
0x25: {  	[simem:s6], [sflag:s4] =	dma.local [hbm:s3], $0xF7A  }
0x26: {  	[smem:$0x3F9C] =	sst s1;
	(tag) =	ssettag s2;
	_ =	strace s9  }
0x27: {  	s1 =	sld [smem:$0x3FAC]  }
0x28: {  	s2 =	sld [smem:$0x3FAD]  }
0x29: {  	s4 =	sld [smem:$0x3FAF]  }
0x2a: {  	p0 =	seq.s32 s5, $0x0;
	s5 =	sld [smem:$0x3FB0]  }
0x2b: {  	s6 =	sld [smem:$0x3FB1]  }
0x2c: {  	s7 =	sld [smem:$0x3FB2]  }
0x2d: {  	s3 =	simm.s32 $0x108;
	s8 =	sld [smem:$0x3FB3]  }
0x2e: {  	s3 =	simm.s32 @!p0 $0x1082;
	s9 =	sld [smem:$0x3FB4]  }
0x2f: {  	lr =	sadd.s32 s0, s3;
	s0 =	sld [smem:$0x3FAB]  }
0x30: {  	s3 =	sld [smem:$0x3FAE]  }
0x31: {  	[smem:$0x3FB7] =	sst s10  }
0x32: {  	s10 =	sld [smem:$0x3FB5];
	_ =	sdelay $0x3  }
0x33: {  	p0 =	seq.s32 s10, $0x1;
	s10 =	sld [smem:$0x3FB7];
	_ =	sdelay $0x3  }
0x34: {  	[smem:$0x3FB7] =	sst s10  }
0x35: {  	s10 =	sld [smem:$0x3FB6];
	_ =	sdelay $0x3  }
0x36: {  	p1 =	seq.s32 s10, $0x1;
	s10 =	sld [smem:$0x3FB7];
	_ =	sdelay $0x3  }
0x37: {  	[smem:$0x3FB7] =	sst s10  }
0x38: {  	s10 =	sld [smem:$0x3FB8]  }
0x39: {  	_ = 	snop;
	(pc) =	sbr.ind lr, $3  }
0x3a: {  	_ = 	snop  }
0x3b: {  	_ = 	snop  }
0x3c: {  	p2 =	seq.s32 s10, $0x1;
	s10 =	sld [smem:$0x3FB7]  }
0x3d: {  	_ =	shalt  }
0x3e: {  	_ =	shalt  }
0x3f: {  	_ =	shalt  }
0x40: {  	_ =	shalt  }
0x41: {  	_ =	shalt  }
0x42: {  	_ =	shalt  }
0x43: {  	_ =	shalt  }
0x44: {  	_ =	shalt  }
0x45: {  	_ =	shalt  }
0x46: {  	_ =	shalt  }
0x47: {  	_ =	shalt  }
0x48: {  	_ =	shalt  }
0x49: {  	_ =	shalt  }
0x4a: {  	_ =	shalt  }
0x4b: {  	_ =	shalt  }
0x4c: {  	_ =	shalt  }
0x4d: {  	_ =	shalt  }
0x4e: {  	_ =	shalt  }
0x4f: {  	_ =	shalt  }
0x50: {  	_ =	shalt  }
0x51: {  	_ =	shalt  }
0x52: {  	_ =	shalt  }
0x53: {  	_ =	shalt  }
0x54: {  	_ =	shalt  }
0x55: {  	_ =	shalt  }
0x56: {  	_ =	shalt  }
0x57: {  	_ =	shalt  }
0x58: {  	_ =	shalt  }
0x59: {  	_ =	shalt  }
0x5a: {  	_ =	shalt  }
0x5b: {  	_ =	shalt  }
0x5c: {  	_ =	shalt  }
0x5d: {  	_ =	shalt  }
0x5e: {  	_ =	shalt  }
0x5f: {  	_ =	shalt  }
0x60: {  	_ =	shalt  }
0x61: {  	_ =	shalt  }
0x62: {  	_ =	shalt  }
0x63: {  	_ =	shalt  }
0x64: {  	_ =	shalt  }
0x65: {  	_ =	shalt  }
0x66: {  	_ =	shalt  }
0x67: {  	_ =	shalt  }
0x68: {  	_ =	shalt  }
0x69: {  	_ =	shalt  }
0x6a: {  	_ =	shalt  }
0x6b: {  	_ =	shalt  }
0x6c: {  	_ =	shalt  }
0x6d: {  	_ =	shalt  }
0x6e: {  	_ =	shalt  }
0x6f: {  	_ =	shalt  }
0x70: {  	_ =	shalt  }
0x71: {  	_ =	shalt  }
0x72: {  	_ =	shalt  }
0x73: {  	_ =	shalt  }
0x74: {  	_ =	shalt  }
0x75: {  	_ =	shalt  }
0x76: {  	_ =	shalt  }
0x77: {  	_ =	shalt  }
0x78: {  	_ =	shalt  }
0x79: {  	_ =	shalt  }
0x7a: {  	_ =	shalt  }
0x7b: {  	_ =	shalt  }
0x7c: {  	_ =	shalt  }
0x7d: {  	_ =	shalt  }
0x7e: {  	_ =	shalt  }
0x7f: {  	_ =	shalt  }
0x80: {  	_ =	shalt  }
0x81: {  	_ =	shalt  }
0x82: {  	_ =	shalt  }
0x83: {  	_ =	shalt  }
0x84: {  	_ =	shalt  }
0x85: {  	_ =	shalt  }
0x86: {  	_ =	shalt  }
0x87: {  	_ =	shalt  }
.Lfunc_end0:
.L_simem_size_0:
called_computation_lowered:
.L_overlay_start_0:
0x88: {  	s2 =	sld [smem:$0x3FD9]  }
0x89: {  	s3 =	sld [smem:$0x3FFE];
	_ =	sdelay $0x1  }
0x8a: {  	s1 =	srdreg.scid  }
0x8b: {  	s0 =	sand.u32 $0x1, s1  }
0x8c: {  	s17 =	sshll.u32 s0, $0xA;
	s2 =	sadd.s32 s3, s2  }
0x8d: {  	s2 =	sadd.s32 s2, s17  }
0x8e: {  	[smem:$0x3FC3] =	sst s2  }
0x8f: {  	_ = 	snop  }
0x90: {  	s2 =	sld [smem:$0x3FD0];
	(tm) =	ssettm $0x1  }
0x91: {  	s18 =	sld [smem:$0x3FFB];
	_ =	sdelay $0x3  }
0x92: {  	_ =	strace s18  }
0x93: {  	s3 =	sld [smem:$0x3FFC];
	_ =	sdelay $0x3  }
0x94: {  	_ =	strace s3  }
0x95: {  	s3 =	sld [smem:$0x3FFD];
	_ =	sdelay $0x3  }
0x96: {  	_ =	strace s3  }
0x97: {  	_ =	strace $0x8FFFFFFF  }
0x98: {  	s19 =	sld [smem:$0x3FDB];
	_ =	sdelay $0x1  }
0x99: {  	s4 =	simm.s32 $_scs_section_size  }
0x9a: {  	s5 =	simm.s32 $_size__tile_overlayer_lowered;
	s6 =	simm.s32 $_tile_overlayer_lowered  }
0x9b: {  	s22 =	simm.s32 $0x1BFF;
	s21 =	sshll.u32 s6, $0x1;
	s3 =	sadd.s32 s4, s19  }
0x9c: {  	s7 =	simm.s32 $0x0;
	s20 =	sshll.u32 s5, $0x1;
	s5 =	sadd.s32 s21, s3  }
0x9d: {  	[timem:s7], [sflag:s22] =	dma.local [hbm:s5], s20  }
0x9e: {  	_ =	swait.ge [sflag:s22], s20  }
0x9f: {  	s4 =	ssub.s32 $0x0, s20;
	[sflag:s22] =	ssyncset.done $0x0  }
0xa0: {  	[sflag:s22] =	ssyncadd.s32 s4;
	_ =	sdelay $0x1  }
0xa1: {  	s23 =	simm.s32 $0x1B8B  }
0xa2: {  	_ =	swait.ge [sflag:s23], $0x1  }
0xa3: {  	[sflag:s23] =	ssyncset.done $0x0  }
0xa4: {  	s25 =	simm.s32 $0x1B8E;
	s24 =	sld [smem:$0x3FFE];
	[sflag:s23] =	ssyncadd.s32 $0xFFFFFFFF  }
0xa5: {  	s26 =	simm.s32 $execute0_lowered;
	[smem:$0x3FD2] =	sst s25  }
0xa6: {  	s5 =	sshll.u32 s26, $0x1;
	_ =	strace $0x80000046;
	[dreg:$0x1] =	wrdreg $0xFFFFFFFF  }
0xa7: {  	s28 =	simm.s32 $_size_execute0_lowered;
	s3 =	sadd.s32 s3, s5;
	[dreg:$0x0] =	wrdreg $0x0  }
0xa8: {  	s5 =	sshll.u32 s28, $0x1;
	[dreg:$0x2] =	wrdreg s3  }
0xa9: {  	[dreg:$0x3] =	wrdreg s5  }
0xaa: {  	[dreg:$0x4] =	wrdreg $0xC0  }
0xab: {  	_ =	task [dreg:s7], $0x5FFFF  }
0xac: {  	[dreg:$0x1] =	wrdreg $0xFFFFFFFF  }
0xad: {  	[dreg:$0x0] =	wrdreg $0x60  }
0xae: {  	[dreg:$0x2] =	wrdreg s2  }
0xaf: {  	[dreg:$0x3] =	wrdreg s24  }
0xb0: {  	[dreg:$0x4] =	wrdreg $0xA8000  }
0xb1: {  	[dreg:$0x5] =	wrdreg $0x9  }
0xb2: {  	_ =	task.clear_ibuf [dreg:s7], $0x6FFFF;
	_ =	strace $0x90000046  }
0xb3: {  	s29 =	simm.s32 $0x9;
	_ =	strace $0x80000048  }
0xb4: {  	_ =	swait.ge [sflag:s29], $0x1  }
0xb5: {  	[sflag:s29] =	ssyncadd.s32 $0xFFFFFFFF  }
0xb6: {  	_ =	strace $0x90000048  }
0xb7: {  	_ =	sfence  }
0xb8: {  	s30 =	sld [smem:$0x0];
	_ =	sdelay $0x2  }
0xb9: {  	s31 =	sshll.u32 s1, $0xD;
	s1 =	sshrl.u32 s1, $0x2  }
0xba: {  	s3 =	sand.u32 $0x4000, s31;
	s1 =	sadd.s32 s1, s30  }
0xbb: {  	s0 =	sor.u32 s3, s0;
	s1 =	sshll.u32 s1, $0x11  }
0xbc: {  	s0 =	sor.u32 s1, s0  }
0xbd: {  	s0 =	sadd.s32 $0x8F2B, s0  }
0xbe: {  	[sflag:s0] =	ssyncadd.remote.s32 $0x1  }
0xbf: {  	_ =	sfence.sel $0xFFFF  }
0xc0: {  	[dreg:$0x0] =	wrdreg $0xFFFFFFFF;
	(pc) =	sbr.abs _section_cstart, $3  }
0xc1: {  	[dreg:$0x1] =	wrdreg $0xFFFFFFFF  }
0xc2: {  	_ =	task.clear_ibuf [dreg:s7], $0x2FFFF;
	_ =	strace $0x9FFFFFFF  }
0xc3: {  	(tm) =	ssettm $0x7FFFFFFF  }
tec
execute0_lowered:
.L_overlay_start_1:
0x0: {  	(tag) =	ssettag $0x1  }
0x1: {  	s7 =	rddreg [dreg:$0x0]  }
0x2: {  	s5 =	rddreg [dreg:$0x1]  }
0x3: {  	s2 =	rddreg [dreg:$0x2];
	s0 =	stileid.u32  }
0x4: {  	s6 =	srdreg.scid;
	s1 =	rddreg [dreg:$0x3]  }
0x5: {  	s3 =	simm.s32 $0x0;
	s14 =	simm.s32 $0x6800;
	s15 =	simm.s32 $0x1  }
0x6: {  	s16 =	simm.s32 $0x1380;
	s17 =	simm.s32 $0x2700;
	s4 =	smul.u32 $0x5000, s0  }
0x7: {  	s18 =	simm.s32 $0x2780;
	s6 =	sand.u32 $0x1, s6;
	s10 =	smul.u32 $0x4F000, s0  }
0x8: {  	[smem:$0x7FF] =	sst s3;
	s31 =	sshll.u32 s0, $0x6;
	s20 =	smul.u32 $0x2780, s0  }
0x9: {  	s8 =	smul.u32 $0x27800, s6;
	_ =	strace $0x80000047;
	s29 =	ssub.s32 $0x2, s6  }
0xa: {  	s12 =	smul.u32 $0x27100, s6;
	s4 =	sshrl.u32 s4, $0x3;
	s30 =	sshrl.u32 s29, $0x1  }
0xb: {  	s10 =	sshrl.u32 s10, $0x2;
	s9 =	sadd.s32 s4, s5;
	s4 =	sadd.s32 $0xB400, s5  }
0xc: {  	s11 =	sadd.s32 s8, s5;
	s13 =	ssub.s32 s29, s30;
	s10 =	sadd.s32 s10, s2  }
0xd: {  	s5 =	sor.u32 $0x1C02, s31;
	s7 =	sadd.s32 s7, s12;
	s12 =	simm.s32 $0x7D  }
0xe: {  	s6 =	sadd.s32 $0xC00, s9;
	s8 =	sadd.s32 $0x1100, s9;
	s19 =	sadd.s32 $0xDC00, s11  }
0xf: {  	s9 =	smax.u32 s13, $0x1;
	s10 =	sshrl.u32 s10, $0x3;
	s11 =	simm.s32 $0x2  }
0x10: {  	s13 =	simm.s32 $0x2800;
	s19 =	sadd.s32 s20, s19;
	s20 =	simm.s32 $0x0  }
.LBB2_1:
0x11: {  	[spmem:s10], [sflag:s5] =	dma.local [hbm:s4], $0x2780  }
0x12: {  	_ =	swait.ge [sflag:s11], $0x2780  }
0x13: {  	[sflag:s11] =	ssyncset.done $0x0  }
0x14: {  	[sflag:s11] =	ssyncadd.s32 $0xFFFFD880  }
0x15: {  	[bflag:$0x0] =	sbarrier.arrive $0xFFFF  }
0x16: {  	[tilespmem:s3], [sflag:$0x2] =	stream.linear.gather [hbm4b:s6+s3], $0x2800, $0x38;
	[tilespmem:$0x1E400] =	vst v63  }
0x17: {  	_ =	swait.ge [sflag:s11], $0x2800  }
0x18: {  	[sflag:s11] =	ssyncset.done $0x0  }
0x19: {  	[sflag:s11] =	ssyncadd.s32 $0xFFFFD800  }
0x1a: {  	[tilespmem:s13], [sflag:$0x1] =	stream.indirect.gather [hbm4b:s7+s12], $0x80, s3, s12, $0xb8;
	[tilespmem:$0x1E400] =	vst v63  }
0x1b: {  	s21 =	simm.s32 $0x80  }
0x1c: {  	[tilespmem:s14], [sflag:$0x1] =	stream.indirect.gather [hbm4b:s7+s12], $0x80, s21, s12, $0xb8;
	[tilespmem:$0x1E400] =	vst v63  }
0x1d: {  	_ =	swait.ge [sflag:s15], $0x3E80  }
0x1e: {  	[sflag:s15] =	ssyncset.done $0x0  }
0x1f: {  	s29 =	simm.s32 $0x1400;
	[sflag:s15] =	ssyncadd.s32 $0xFFFFC180  }
0x20: {  	[spmem:s2] =	stream.indirect.scatter.add.f32 [tilespmem:s13], [sflag:$0x2], $0x80, s29, s12, $0xb8;
	[tilespmem:$0x1E400] =	vst v63  }
0x21: {  	_ =	swait.ge [sflag:s11], $0x3E80  }
0x22: {  	[sflag:s11] =	ssyncset.done $0x0  }
0x23: {  	s30 =	simm.s32 $0x100;
	[sflag:s11] =	ssyncadd.s32 $0xFFFFC180  }
0x24: {  	[tilespmem:s13], [sflag:$0x1] =	stream.indirect.gather [hbm4b:s7+s12], $0x80, s30, s12, $0xb8;
	[tilespmem:$0x1E400] =	vst v63  }
0x25: {  	_ =	swait.ge [sflag:s15], $0x3E80  }
0x26: {  	[sflag:s15] =	ssyncset.done $0x0  }
0x27: {  	s31 =	simm.s32 $0x1480;
	[sflag:s15] =	ssyncadd.s32 $0xFFFFC180  }
0x28: {  	[spmem:s2] =	stream.indirect.scatter.add.f32 [tilespmem:s14], [sflag:$0x2], $0x80, s31, s12, $0xb8;
	[tilespmem:$0x1E400] =	vst v63  }
0x29: {  	_ =	swait.ge [sflag:s11], $0x3E80  }
0x2a: {  	s22 =	simm.s32 $0xC00;
	s21 =	simm.s32 $0x200;
	[sflag:s11] =	ssyncset.done $0x0  }
.LBB2_2:
0x2b: {  	s23 =	sadd.s32 $0xFFFFFF80, s21  }
0x2c: {  	[sflag:s11] =	ssyncadd.s32 $0xFFFFC180;
	s24 =	smov.u32 s22;
	s25 =	sadd.s32 $0x400, s22  }
0x2d: {  	[tilespmem:s14], [sflag:$0x1] =	stream.indirect.gather [hbm4b:s7+s12], $0x80, s23, s12, $0xb8;
	[tilespmem:$0x1E400] =	vst v63  }
0x2e: {  	p0 =	sne.s32 s22, $0x4C00;
	_ =	swait.ge [sflag:s15], $0x3E80  }
0x2f: {  	[sflag:s15] =	ssyncset.done $0x0  }
0x30: {  	s22 =	sadd.s32 $0x1300, s21;
	[sflag:s15] =	ssyncadd.s32 $0xFFFFC180  }
0x31: {  	[spmem:s2] =	stream.indirect.scatter.add.f32 [tilespmem:s13], [sflag:$0x2], $0x80, s22, s12, $0xb8;
	[tilespmem:$0x1E400] =	vst v63  }
0x32: {  	_ =	swait.ge [sflag:s11], $0x3E80  }
0x33: {  	[sflag:s11] =	ssyncset.done $0x0  }
0x34: {  	[sflag:s11] =	ssyncadd.s32 $0xFFFFC180  }
0x35: {  	[tilespmem:s13], [sflag:$0x1] =	stream.indirect.gather [hbm4b:s7+s12], $0x80, s21, s12, $0xb8;
	[tilespmem:$0x1E400] =	vst v63  }
0x36: {  	_ =	swait.ge [sflag:s15], $0x3E80  }
.Ltmp0:
0x37: {  	[sflag:s15] =	ssyncset.done $0x0;
	(pc) =	sbr.rel @p0 .LBB2_2-.Ltmp0, $4  }
0x38: {  	s21 =	sadd.s32 $0x1380, s21;
	[sflag:s15] =	ssyncadd.s32 $0xFFFFC180  }
0x39: {  	[spmem:s2] =	stream.indirect.scatter.add.f32 [tilespmem:s14], [sflag:$0x2], $0x80, s21, s12, $0xb8;
	[tilespmem:$0x1E400] =	vst v63  }
0x3a: {  	_ =	swait.ge [sflag:s11], $0x3E80  }
0x3b: {  	s22 =	smov.u32 s25;
	s21 =	sshra.s32 s24, $0x2;
	[sflag:s11] =	ssyncset.done $0x0  }
0x3c: {  	s22 =	sadd.s32 $0xFFFFFF80, s21;
	[sflag:s11] =	ssyncadd.s32 $0xFFFFC180  }
0x3d: {  	[tilespmem:s14], [sflag:$0x1] =	stream.indirect.gather [hbm4b:s7+s12], $0x80, s22, s12, $0xb8;
	[tilespmem:$0x1E400] =	vst v63  }
0x3e: {  	_ =	swait.ge [sflag:s15], $0x3E80  }
0x3f: {  	[sflag:s15] =	ssyncset.done $0x0  }
0x40: {  	s25 =	sadd.s32 $0x1300, s21;
	[sflag:s15] =	ssyncadd.s32 $0xFFFFC180  }
0x41: {  	[spmem:s2] =	stream.indirect.scatter.add.f32 [tilespmem:s13], [sflag:$0x2], $0x80, s25, s12, $0xb8;
	[tilespmem:$0x1E400] =	vst v63  }
0x42: {  	_ =	swait.ge [sflag:s11], $0x3E80  }
0x43: {  	[sflag:s11] =	ssyncset.done $0x0  }
0x44: {  	[sflag:s11] =	ssyncadd.s32 $0xFFFFC180  }
0x45: {  	[tilespmem:s13], [sflag:$0x1] =	stream.indirect.gather [hbm4b:s7+s12], $0x80, s21, s12, $0xb8;
	[tilespmem:$0x1E400] =	vst v63  }
0x46: {  	_ =	swait.ge [sflag:s15], $0x3E80  }
0x47: {  	[sflag:s15] =	ssyncset.done $0x0  }
0x48: {  	s26 =	sadd.s32 $0x1380, s21;
	[sflag:s15] =	ssyncadd.s32 $0xFFFFC180  }
0x49: {  	[spmem:s2] =	stream.indirect.scatter.add.f32 [tilespmem:s14], [sflag:$0x2], $0x80, s26, s12, $0xb8;
	[tilespmem:$0x1E400] =	vst v63  }
0x4a: {  	_ =	swait.ge [sflag:s11], $0x3E80  }
0x4b: {  	[sflag:s11] =	ssyncset.done $0x0  }
0x4c: {  	[sflag:s11] =	ssyncadd.s32 $0xFFFFC180  }
0x4d: {  	[tilespmem:s14], [sflag:$0x1] =	stream.indirect.gather [hbm4b:s7+s12], $0x80, s16, s12, $0xb8;
	[tilespmem:$0x1E400] =	vst v63  }
0x4e: {  	_ =	swait.ge [sflag:s15], $0x3E80  }
0x4f: {  	[sflag:s15] =	ssyncset.done $0x0  }
0x50: {  	[sflag:s15] =	ssyncadd.s32 $0xFFFFC180  }
0x51: {  	[spmem:s2] =	stream.indirect.scatter.add.f32 [tilespmem:s13], [sflag:$0x2], $0x80, s17, s12, $0xb8;
	[tilespmem:$0x1E400] =	vst v63  }
0x52: {  	_ =	swait.ge [sflag:s11], $0x3E80  }
0x53: {  	[sflag:s11] =	ssyncset.done $0x0  }
0x54: {  	[sflag:s11] =	ssyncadd.s32 $0xFFFFC180  }
0x55: {  	[tilespmem:s13], [sflag:$0x1] =	stream.indirect.gather [hbm4b:s7+s12], $0x80, s16, s12, $0xb8;
	[tilespmem:$0x1E400] =	vst v63  }
0x56: {  	_ =	swait.ge [sflag:s15], $0x3E80  }
0x57: {  	[sflag:s15] =	ssyncset.done $0x0  }
0x58: {  	[sflag:s15] =	ssyncadd.s32 $0xFFFFC180  }
0x59: {  	[spmem:s2] =	stream.indirect.scatter.add.f32 [tilespmem:s14], [sflag:$0x2], $0x80, s18, s12, $0xb8;
	[tilespmem:$0x1E400] =	vst v63  }
0x5a: {  	_ =	swait.ge [sflag:s11], $0x3E80  }
0x5b: {  	[sflag:s11] =	ssyncset.done $0x0  }
0x5c: {  	[sflag:s11] =	ssyncadd.s32 $0xFFFFC180  }
0x5d: {  	_ =	swait.ge [sflag:s15], $0x3E80  }
0x5e: {  	[sflag:s15] =	ssyncset.done $0x0  }
0x5f: {  	[sflag:s15] =	ssyncadd.s32 $0xFFFFC180  }
0x60: {  	[tilespmem:s3], [sflag:$0x2] =	stream.linear.gather [hbm4b:s8+s3], $0x2800, $0x38;
	[tilespmem:$0x1E400] =	vst v63  }
0x61: {  	_ =	swait.ge [sflag:s11], $0x2800  }
0x62: {  	[sflag:s11] =	ssyncset.done $0x0  }
0x63: {  	[sflag:s11] =	ssyncadd.s32 $0xFFFFD800  }
0x64: {  	[tilespmem:s13], [sflag:$0x1] =	stream.indirect.gather [hbm4b:s7+s12], $0x80, s3, s12, $0xb8;
	[tilespmem:$0x1E400] =	vst v63  }
0x65: {  	s28 =	simm.s32 $0x80  }
0x66: {  	[tilespmem:s14], [sflag:$0x1] =	stream.indirect.gather [hbm4b:s7+s12], $0x80, s28, s12, $0xb8;
	[tilespmem:$0x1E400] =	vst v63  }
0x67: {  	_ =	swait.ge [sflag:s15], $0x3E80  }
0x68: {  	[sflag:s15] =	ssyncset.done $0x0  }
0x69: {  	s29 =	simm.s32 $0x1400;
	[sflag:s15] =	ssyncadd.s32 $0xFFFFC180  }
0x6a: {  	[spmem:s2] =	stream.indirect.scatter.add.f32 [tilespmem:s13], [sflag:$0x2], $0x80, s29, s12, $0xb8;
	[tilespmem:$0x1E400] =	vst v63  }
0x6b: {  	_ =	swait.ge [sflag:s11], $0x3E80  }
0x6c: {  	[sflag:s11] =	ssyncset.done $0x0  }
0x6d: {  	s30 =	simm.s32 $0x100;
	[sflag:s11] =	ssyncadd.s32 $0xFFFFC180  }
0x6e: {  	[tilespmem:s13], [sflag:$0x1] =	stream.indirect.gather [hbm4b:s7+s12], $0x80, s30, s12, $0xb8;
	[tilespmem:$0x1E400] =	vst v63  }
0x6f: {  	_ =	swait.ge [sflag:s15], $0x3E80  }
0x70: {  	[sflag:s15] =	ssyncset.done $0x0  }
0x71: {  	s31 =	simm.s32 $0x1480;
	[sflag:s15] =	ssyncadd.s32 $0xFFFFC180  }
0x72: {  	[spmem:s2] =	stream.indirect.scatter.add.f32 [tilespmem:s14], [sflag:$0x2], $0x80, s31, s12, $0xb8;
	[tilespmem:$0x1E400] =	vst v63  }
0x73: {  	_ =	swait.ge [sflag:s11], $0x3E80  }
0x74: {  	s22 =	simm.s32 $0xC00;
	s21 =	simm.s32 $0x200;
	[sflag:s11] =	ssyncset.done $0x0  }
.LBB2_4:
0x75: {  	s23 =	sadd.s32 $0xFFFFFF80, s21  }
0x76: {  	[sflag:s11] =	ssyncadd.s32 $0xFFFFC180;
	s24 =	smov.u32 s22;
	s25 =	sadd.s32 $0x400, s22  }
0x77: {  	[tilespmem:s14], [sflag:$0x1] =	stream.indirect.gather [hbm4b:s7+s12], $0x80, s23, s12, $0xb8;
	[tilespmem:$0x1E400] =	vst v63  }
0x78: {  	p0 =	sne.s32 s22, $0x4C00;
	_ =	swait.ge [sflag:s15], $0x3E80  }
0x79: {  	[sflag:s15] =	ssyncset.done $0x0  }
0x7a: {  	s22 =	sadd.s32 $0x1300, s21;
	[sflag:s15] =	ssyncadd.s32 $0xFFFFC180  }
0x7b: {  	[spmem:s2] =	stream.indirect.scatter.add.f32 [tilespmem:s13], [sflag:$0x2], $0x80, s22, s12, $0xb8;
	[tilespmem:$0x1E400] =	vst v63  }
0x7c: {  	_ =	swait.ge [sflag:s11], $0x3E80  }
0x7d: {  	[sflag:s11] =	ssyncset.done $0x0  }
0x7e: {  	[sflag:s11] =	ssyncadd.s32 $0xFFFFC180  }
0x7f: {  	[tilespmem:s13], [sflag:$0x1] =	stream.indirect.gather [hbm4b:s7+s12], $0x80, s21, s12, $0xb8;
	[tilespmem:$0x1E400] =	vst v63  }
0x80: {  	_ =	swait.ge [sflag:s15], $0x3E80  }
.Ltmp1:
0x81: {  	[sflag:s15] =	ssyncset.done $0x0;
	(pc) =	sbr.rel @p0 .LBB2_4-.Ltmp1, $4  }
0x82: {  	s21 =	sadd.s32 $0x1380, s21;
	[sflag:s15] =	ssyncadd.s32 $0xFFFFC180  }
0x83: {  	[spmem:s2] =	stream.indirect.scatter.add.f32 [tilespmem:s14], [sflag:$0x2], $0x80, s21, s12, $0xb8;
	[tilespmem:$0x1E400] =	vst v63  }
0x84: {  	_ =	swait.ge [sflag:s11], $0x3E80  }
0x85: {  	s22 =	smov.u32 s25;
	s21 =	sshra.s32 s24, $0x2;
	[sflag:s11] =	ssyncset.done $0x0  }
0x86: {  	s22 =	sadd.s32 $0xFFFFFF80, s21;
	[sflag:s11] =	ssyncadd.s32 $0xFFFFC180  }
0x87: {  	[tilespmem:s14], [sflag:$0x1] =	stream.indirect.gather [hbm4b:s7+s12], $0x80, s22, s12, $0xb8;
	[tilespmem:$0x1E400] =	vst v63  }
0x88: {  	_ =	swait.ge [sflag:s15], $0x3E80  }
0x89: {  	[sflag:s15] =	ssyncset.done $0x0  }
0x8a: {  	s30 =	sadd.s32 $0x1300, s21;
	[sflag:s15] =	ssyncadd.s32 $0xFFFFC180  }
0x8b: {  	[spmem:s2] =	stream.indirect.scatter.add.f32 [tilespmem:s13], [sflag:$0x2], $0x80, s30, s12, $0xb8;
	[tilespmem:$0x1E400] =	vst v63  }
0x8c: {  	_ =	swait.ge [sflag:s11], $0x3E80  }
0x8d: {  	[sflag:s11] =	ssyncset.done $0x0  }
0x8e: {  	[sflag:s11] =	ssyncadd.s32 $0xFFFFC180  }
0x8f: {  	[tilespmem:s13], [sflag:$0x1] =	stream.indirect.gather [hbm4b:s7+s12], $0x80, s21, s12, $0xb8;
	[tilespmem:$0x1E400] =	vst v63  }
0x90: {  	_ =	swait.ge [sflag:s15], $0x3E80  }
0x91: {  	[sflag:s15] =	ssyncset.done $0x0  }
0x92: {  	s31 =	sadd.s32 $0x1380, s21;
	[sflag:s15] =	ssyncadd.s32 $0xFFFFC180  }
0x93: {  	[spmem:s2] =	stream.indirect.scatter.add.f32 [tilespmem:s14], [sflag:$0x2], $0x80, s31, s12, $0xb8;
	[tilespmem:$0x1E400] =	vst v63  }
0x94: {  	_ =	swait.ge [sflag:s11], $0x3E80  }
0x95: {  	[sflag:s11] =	ssyncset.done $0x0  }
0x96: {  	[sflag:s11] =	ssyncadd.s32 $0xFFFFC180  }
0x97: {  	[tilespmem:s14], [sflag:$0x1] =	stream.indirect.gather [hbm4b:s7+s12], $0x80, s16, s12, $0xb8;
	[tilespmem:$0x1E400] =	vst v63  }
0x98: {  	_ =	swait.ge [sflag:s15], $0x3E80  }
0x99: {  	[sflag:s15] =	ssyncset.done $0x0  }
0x9a: {  	[sflag:s15] =	ssyncadd.s32 $0xFFFFC180  }
0x9b: {  	[spmem:s2] =	stream.indirect.scatter.add.f32 [tilespmem:s13], [sflag:$0x2], $0x80, s17, s12, $0xb8;
	[tilespmem:$0x1E400] =	vst v63  }
0x9c: {  	_ =	swait.ge [sflag:s11], $0x3E80  }
0x9d: {  	[sflag:s11] =	ssyncset.done $0x0  }
0x9e: {  	[sflag:s11] =	ssyncadd.s32 $0xFFFFC180  }
0x9f: {  	[tilespmem:s13], [sflag:$0x1] =	stream.indirect.gather [hbm4b:s7+s12], $0x80, s16, s12, $0xb8;
	[tilespmem:$0x1E400] =	vst v63  }
0xa0: {  	_ =	swait.ge [sflag:s15], $0x3E80  }
0xa1: {  	[sflag:s15] =	ssyncset.done $0x0  }
0xa2: {  	[sflag:s15] =	ssyncadd.s32 $0xFFFFC180  }
0xa3: {  	[spmem:s2] =	stream.indirect.scatter.add.f32 [tilespmem:s14], [sflag:$0x2], $0x80, s18, s12, $0xb8;
	[tilespmem:$0x1E400] =	vst v63  }
0xa4: {  	_ =	swait.ge [sflag:s11], $0x3E80  }
0xa5: {  	[sflag:s11] =	ssyncset.done $0x0  }
0xa6: {  	[sflag:s11] =	ssyncadd.s32 $0xFFFFC180  }
0xa7: {  	_ =	swait.ge [sflag:s15], $0x3E80  }
0xa8: {  	s20 =	sadd.s32 $0x1, s20;
	[sflag:s15] =	ssyncset.done $0x0  }
0xa9: {  	p0 =	sne.s32 s20, s9;
	[sflag:s15] =	ssyncadd.s32 $0xFFFFC180  }
.Ltmp2:
0xaa: {  	[bflag:$0x0] =	sbarrier.arrive $0xFFFF;
	(pc) =	sbr.rel @p0 .LBB2_1-.Ltmp2, $4  }
0xab: {  	[hbm:s19], [sflag:s5] =	dma.local [spmem:s10], $0x2780  }
0xac: {  	_ =	swait.ge [sflag:s11], $0x2780  }
0xad: {  	[sflag:s11] =	ssyncset.done $0x0  }
0xae: {  	[sflag:s11] =	ssyncadd.s32 $0xFFFFD880  }
0xaf: {  	_ =	sfence.sel $0x180000  }
0xb0: {  	[bflag:$0x0] =	sbarrier.arrive $0xFFFF  }
0xb1: {  	p0 =	sne.s32 s0, $0x0;
	_ =	strace $0x90000047  }
0xb2: {  	s0 =	sadd.s32 @!p0 $0x100000, s1;
	[bflag:$0x2] =	sbarrier.arrive $0xFFFF  }
0xb3: {  	[sflag:s0] =	ssyncadd.tile.s32 @!p0 $0x1;
	_ =	shalt  }
.Lfunc_end2:
_tile_overlayer_lowered:
.L_overlay_start_2:
0xb4: {  	(tag) =	ssettag $0x2  }
0xb5: {  	s0 =	rddreg [dreg:$0x0];
	s2 =	stileid.u32  }
0xb6: {  	s1 =	rddreg [dreg:$0x1];
	p0 =	sne.s32 s2, $0x0  }
0xb7: {  	s3 =	rddreg [dreg:$0x2];
	[bflag:$0x3] =	sbarrier.arrive $0xFFFF;
	s2 =	simm.s32 @!p0 $0x1C02  }
0xb8: {  	[timem:s3], [sflag:s2] =	dma.local @!p0 [hbm:s0], s1  }
0xb9: {  	s0 =	simm.s32 @!p0 $0x2  }
0xba: {  	_ =	swait.ge @!p0 [sflag:s0], s1  }
0xbb: {  	s1 =	ssub.s32 @!p0 $0x0, s1;
	[sflag:s0] =	ssyncset.done @!p0 $0x0  }
0xbc: {  	[sflag:s0] =	ssyncadd.s32 @!p0 s1  }
0xbd: {  	[bflag:$0x3] =	sbarrier.arrive $0xFFFF  }
0xbe: {  	_ =	shalt  }

</sc_bundles>
